<compile_context>
chip_gen: v7x
topology: tpu7x:2x2x1
jax: 0.10.2.dev20260603
libtpu: 0.0.44.dev20260713+nightly
codegen_flags: <defaults>
</compile_context>

<pallas_src>
import functools

import numpy as np
import jax
import jax.numpy as jnp
from jax import lax
from jax.experimental import pallas as pl
from jax.experimental.pallas import tpu as pltpu
from jax.experimental.pallas import tpu_sc as plsc

_SIZE_IMG = 512
_STRIDE = 32
_N_ANCHOR = 9
_EPS = 1e-4
_B = 64
_N_GT = 128


def _anchor_constants():
    hf = _SIZE_IMG // _STRIDE
    wf = _SIZE_IMG // _STRIDE
    smax = 2 ** _SIZE_IMG.bit_length()
    scales = np.array([smax >> 3, smax >> 2, smax >> 1], dtype=np.float32)
    sqrt2 = 1.4142135624
    ratios = np.array([[sqrt2, sqrt2 / 2.0], [1.0, 1.0], [sqrt2 / 2.0, sqrt2]],
                      dtype=np.float32)
    hw_one = np.concatenate([np.outer(scales, ratios[i]) for i in range(3)], axis=0)
    vy = np.arange(hf, dtype=np.float32)
    vx = np.arange(wf, dtype=np.float32)
    yy, xx = np.meshgrid(vy, vx, indexing='ij')
    coords = np.stack([yy, xx], axis=-1)[:, :, None, :] * _STRIDE + _STRIDE // 2
    coords = np.tile(coords, (1, 1, _N_ANCHOR, 1))
    hw = np.tile(hw_one[None, None, :, :], (hf, wf, 1, 1))
    ac_abs = np.concatenate([coords - 0.5 * hw, coords + 0.5 * hw], axis=-1).reshape(-1, 4)
    ac = (ac_abs / float(_SIZE_IMG)).astype(np.float32)
    mask = ((ac[:, 0] >= -0.2) & (ac[:, 1] >= -0.2)
            & (ac[:, 2] <= 1.2) & (ac[:, 3] <= 1.2)
            & (ac[:, 2] > ac[:, 0]) & (ac[:, 3] > ac[:, 1]))
    ac = ac[mask]
    h_r = np.maximum(ac[:, 2] - ac[:, 0], np.float32(_EPS))
    w_r = np.maximum(ac[:, 3] - ac[:, 1], np.float32(_EPS))
    yctr = ac[:, 0] + np.float32(0.5) * h_r
    xctr = ac[:, 1] + np.float32(0.5) * w_r
    area = (ac[:, 2] - ac[:, 0]) * (ac[:, 3] - ac[:, 1])
    iou_rows = np.stack([ac[:, 0], ac[:, 1], ac[:, 2], ac[:, 3], area],
                        axis=0).astype(np.float32)
    delta_consts = np.stack([h_r, w_r, yctr, xctr], axis=0).astype(np.float32)
    return iou_rows, delta_consts


_AC_CONST, _DELTA_CONST = _anchor_constants()
_N_AC = _AC_CONST.shape[1]
_REV_CONST = np.broadcast_to(
    (127.0 - np.arange(_N_GT, dtype=np.float32))[:, None], (_N_GT, _N_AC)).copy()

_BB = 8



def _tc_body(gt_ref, ac_ref, rev_ref, bgg_ref, label_ref):
    for k in range(_BB):
        _tc_one(k, gt_ref, ac_ref, rev_ref, bgg_ref, label_ref)


def _tc_one(k, gt_ref, ac_ref, rev_ref, bgg_ref, label_ref):
    gy0 = gt_ref[k, :, 0:1]
    gx0 = gt_ref[k, :, 1:2]
    gy1 = gt_ref[k, :, 2:3]
    gx1 = gt_ref[k, :, 3:4]
    ay0 = ac_ref[0:1, :]
    ax0 = ac_ref[1:2, :]
    ay1 = ac_ref[2:3, :]
    ax1 = ac_ref[3:4, :]
    area_ac = ac_ref[4:5, :]

    iy = jnp.maximum(jnp.minimum(ay1, gy1) - jnp.maximum(ay0, gy0), 0.0)
    ix = jnp.maximum(jnp.minimum(ax1, gx1) - jnp.maximum(ax0, gx0), 0.0)
    inter = iy * ix
    area_gt = (gy1 - gy0) * (gx1 - gx0)
    union = area_ac + area_gt - inter
    iou = inter / (union + _EPS)
    s = jnp.round(iou * 10000.0)

    enc = s * 128.0 + rev_ref[...]
    enc_max = jnp.max(enc, axis=0, keepdims=True)

    gmax = jnp.max(s, axis=1, keepdims=True)
    gmax2 = jnp.where(gmax > 100.0, gmax, -1.0)
    isb = s == gmax2
    posx = jnp.any(isb, axis=0, keepdims=True)
    pos = (enc_max >= 640000.0) | posx
    neg = (enc_max < 384000.0) & jnp.logical_not(pos)
    label_ref[k] = jnp.where(pos, 1.0, jnp.where(neg, 0.0, -1.0))

    ei = enc_max.astype(jnp.int32)
    b = pl.program_id(0) * _BB + k
    bgg_ref[k] = (127 - (ei & 127)) + b * 128


def _tc_call(bx_gt, ac_const, rev_const, interpret=False):
    return pl.pallas_call(
        _tc_body,
        grid=(_B // _BB,),
        in_specs=[
            pl.BlockSpec((_BB, _N_GT, 4), lambda b: (b, 0, 0)),
            pl.BlockSpec((5, _N_AC), lambda b: (0, 0)),
            pl.BlockSpec((_N_GT, _N_AC), lambda b: (0, 0)),
        ],
        out_specs=[
            pl.BlockSpec((_BB, 1, _N_AC), lambda b: (b, 0, 0)),
            pl.BlockSpec((_BB, 1, _N_AC), lambda b: (b, 0, 0)),
        ],
        out_shape=[
            jax.ShapeDtypeStruct((_B, 1, _N_AC), jnp.int32),
            jax.ShapeDtypeStruct((_B, 1, _N_AC), jnp.float32),
        ],
        compiler_params=pltpu.CompilerParams(
            dimension_semantics=("arbitrary",),
        ),
        interpret=interpret,
    )(bx_gt, ac_const, rev_const)



_N_FLAT = _B * _N_AC
_N_TAB = _B * _N_GT
_LN2 = float(np.log(2.0))


def _sc_log(x):
    bits = plsc.bitcast(x, jnp.int32)
    e = (bits >> 23) - 127
    m = plsc.bitcast((bits & 0x007FFFFF) | 0x3F800000, jnp.float32)
    big = m > 1.4142135623730951
    m = jnp.where(big, m * 0.5, m)
    ef = jnp.where(big, e + 1, e).astype(jnp.float32)
    z = (m - 1.0) / (m + 1.0)
    z2 = z * z
    p = 2.0 + z2 * (2.0 / 3.0 + z2 * (2.0 / 5.0 + z2 * (2.0 / 7.0
                    + z2 * (2.0 / 9.0 + z2 * (2.0 / 11.0)))))
    return ef * _LN2 + z * p


def _sc_delta_kernel(gt_hbm, idx_hbm,
                     hr_hbm, wr_hbm, ycr_hbm, xcr_hbm,
                     ty_hbm, tx_hbm, th_hbm, tw_hbm,
                     gt_v, idx_v, hr_v, wr_v, ycr_v, xcr_v,
                     ty_v, tx_v, th_v, tw_v):
    nw = 32
    chunk = _N_FLAT // nw
    wid = lax.axis_index("s") * 2 + lax.axis_index("c")
    base = wid * chunk
    pltpu.sync_copy(gt_hbm, gt_v)
    pltpu.sync_copy(idx_hbm.at[pl.ds(base, chunk)], idx_v)
    pltpu.sync_copy(hr_hbm.at[pl.ds(base, chunk)], hr_v)
    pltpu.sync_copy(wr_hbm.at[pl.ds(base, chunk)], wr_v)
    pltpu.sync_copy(ycr_hbm.at[pl.ds(base, chunk)], ycr_v)
    pltpu.sync_copy(xcr_hbm.at[pl.ds(base, chunk)], xcr_v)

    def body(g, carry):
        o = g * 16
        fi = idx_v[pl.ds(o, 16)] * 4
        my0 = plsc.load_gather(gt_v, [fi])
        mx0 = plsc.load_gather(gt_v, [fi + 1])
        my1 = plsc.load_gather(gt_v, [fi + 2])
        mx1 = plsc.load_gather(gt_v, [fi + 3])
        h_r = hr_v[pl.ds(o, 16)]
        w_r = wr_v[pl.ds(o, 16)]
        yctr_r = ycr_v[pl.ds(o, 16)]
        xctr_r = xcr_v[pl.ds(o, 16)]
        h_l = my1 - my0
        w_l = mx1 - mx0
        yctr_l = my0 + 0.5 * h_l
        xctr_l = mx0 + 0.5 * w_l
        ty_v[pl.ds(o, 16)] = (yctr_l - yctr_r) / h_r
        tx_v[pl.ds(o, 16)] = (xctr_l - xctr_r) / w_r
        th_v[pl.ds(o, 16)] = _sc_log(jnp.maximum(h_l, _EPS) / h_r)
        tw_v[pl.ds(o, 16)] = _sc_log(jnp.maximum(w_l, _EPS) / w_r)
        return carry

    lax.fori_loop(0, chunk // 16, body, 0)
    pltpu.sync_copy(ty_v, ty_hbm.at[pl.ds(base, chunk)])
    pltpu.sync_copy(tx_v, tx_hbm.at[pl.ds(base, chunk)])
    pltpu.sync_copy(th_v, th_hbm.at[pl.ds(base, chunk)])
    pltpu.sync_copy(tw_v, tw_hbm.at[pl.ds(base, chunk)])


def _sc_call(gt_flat, idx, hr, wr, ycr, xcr):
    chunk = _N_FLAT // 32
    mesh = plsc.VectorSubcoreMesh(core_axis_name="c", subcore_axis_name="s")
    f = functools.partial(
        pl.kernel,
        mesh=mesh,
        compiler_params=pltpu.CompilerParams(needs_layout_passes=False),
        out_type=[jax.ShapeDtypeStruct((_N_FLAT,), jnp.float32)] * 4,
        scratch_types=[
            pltpu.VMEM((_N_TAB * 4,), jnp.float32),
            pltpu.VMEM((chunk,), jnp.int32),
            pltpu.VMEM((chunk,), jnp.float32),
            pltpu.VMEM((chunk,), jnp.float32),
            pltpu.VMEM((chunk,), jnp.float32),
            pltpu.VMEM((chunk,), jnp.float32),
            pltpu.VMEM((chunk,), jnp.float32),
            pltpu.VMEM((chunk,), jnp.float32),
            pltpu.VMEM((chunk,), jnp.float32),
            pltpu.VMEM((chunk,), jnp.float32),
        ],
    )(_sc_delta_kernel)
    return f(gt_flat, idx, hr, wr, ycr, xcr)



_CST_FLAT = np.tile(_DELTA_CONST[:, None, :], (1, _B, 1)).reshape(4, _N_FLAT)


def kernel(bx_gt):
    ac_const = jnp.asarray(_AC_CONST)
    rev_const = jnp.asarray(_REV_CONST)
    bgg, label = _tc_call(bx_gt, ac_const, rev_const)

    gt_flat = bx_gt.reshape(_N_TAB * 4)
    idx = bgg.reshape(_N_FLAT)
    hr = jnp.asarray(_CST_FLAT[0])
    wr = jnp.asarray(_CST_FLAT[1])
    ycr = jnp.asarray(_CST_FLAT[2])
    xcr = jnp.asarray(_CST_FLAT[3])
    ty, tx, th, tw = _sc_call(gt_flat, idx, hr, wr, ycr, xcr)

    delta = jnp.stack([tx, ty, tw, th], axis=-1).reshape(_B, _N_AC, 4)
    return delta, label.reshape(_B, _N_AC)

# --- scband reference (transcript-rebuilt; emitter-appended) ---
"""Pipeline reference for scband-model-rpn-44650480009899 (READ-ONLY COPY).

The authoritative reference and input builder live on the scoring server;
editing this copy changes nothing except your own understanding.
"""

import jax, jax.numpy as jnp
import numpy as np

SIZE_IMG = 512
STRIDE = 32
N_ANCHOR = 9
EPS = 1e-4
IOU_SCALE = 10000
NEG_TH_ACGT = int(IOU_SCALE * 0.3)
POS_TH_ACGT = int(IOU_SCALE * 0.5)
NEG_TH_GTAC = int(IOU_SCALE * 0.01)
BOUND_AC_LO = -0.2
BOUND_AC_HI = 1.2
B = 64
N_GT = 128


def _build_anchors():
    hf = SIZE_IMG // STRIDE
    wf = SIZE_IMG // STRIDE
    smax = 2 ** SIZE_IMG.bit_length()
    scales = np.array([smax >> 3, smax >> 2, smax >> 1], dtype=np.float32)
    sqrt2 = 1.4142135624
    ratios = np.array([[sqrt2, sqrt2 / 2.0], [1.0, 1.0], [sqrt2 / 2.0, sqrt2]], dtype=np.float32)
    hw_one = np.concatenate([np.outer(scales, ratios[i]) for i in range(3)], axis=0)
    vy = np.arange(hf, dtype=np.float32)
    vx = np.arange(wf, dtype=np.float32)
    yy, xx = np.meshgrid(vy, vx, indexing='ij')
    coords = np.stack([yy, xx], axis=-1)[:, :, None, :] * STRIDE + STRIDE // 2
    coords = np.tile(coords, (1, 1, N_ANCHOR, 1))
    hw = np.tile(hw_one[None, None, :, :], (hf, wf, 1, 1))
    ac_abs = np.concatenate([coords - 0.5 * hw, coords + 0.5 * hw], axis=-1).reshape(-1, 4)
    ac = ac_abs / float(SIZE_IMG)
    mask = ((ac[:, 0] >= BOUND_AC_LO) & (ac[:, 1] >= BOUND_AC_LO)
            & (ac[:, 2] <= BOUND_AC_HI) & (ac[:, 3] <= BOUND_AC_HI)
            & (ac[:, 2] > ac[:, 0]) & (ac[:, 3] > ac[:, 1]))
    return ac[mask].astype(np.float32)


RPNAC = _build_anchors()
N_AC = RPNAC.shape[0]


def setup_inputs(seed: int = 0) -> dict:
    key = jax.random.key(seed)
    k1, k2 = jax.random.split(key)
    yx = jax.random.uniform(k1, (B, N_GT, 2), dtype=jnp.float32) * 0.8
    hw = jax.random.uniform(k2, (B, N_GT, 2), dtype=jnp.float32) * 0.19 + 0.01
    bx_gt = jnp.concatenate([yx, yx + hw], axis=-1)
    return {"bx_gt": bx_gt}


def _bbox2delta(bl, br):
    # bl: GT boxes (B, N_AC, 4); br: anchors (N_AC, 4); format (ymin, xmin, ymax, xmax)
    h_r = jnp.maximum(br[..., 2] - br[..., 0], EPS)
    w_r = jnp.maximum(br[..., 3] - br[..., 1], EPS)
    yctr_r = br[..., 0] + 0.5 * h_r
    xctr_r = br[..., 1] + 0.5 * w_r
    h_l = bl[..., 2] - bl[..., 0]
    w_l = bl[..., 3] - bl[..., 1]
    yctr_l = bl[..., 0] + 0.5 * h_l
    xctr_l = bl[..., 1] + 0.5 * w_l
    tx = (xctr_l - xctr_r) / w_r
    ty = (yctr_l - yctr_r) / h_r
    tw = jnp.log(jnp.maximum(w_l, EPS) / w_r)
    th = jnp.log(jnp.maximum(h_l, EPS) / h_r)
    return jnp.stack([tx, ty, tw, th], axis=-1)


def reference(bx_gt):
    ac = jnp.asarray(RPNAC)                      # (N_AC, 4)
    gt = bx_gt                                   # (B, N_GT, 4)
    ac_ = ac[None, :, None, :]                   # (1, N_AC, 1, 4)
    gt_ = gt[:, None, :, :]                      # (B, 1, N_GT, 4)
    iy = jnp.maximum(jnp.minimum(ac_[..., 2], gt_[..., 2]) - jnp.maximum(ac_[..., 0], gt_[..., 0]), 0.0)
    ix = jnp.maximum(jnp.minimum(ac_[..., 3], gt_[..., 3]) - jnp.maximum(ac_[..., 1], gt_[..., 1]), 0.0)
    inter = iy * ix
    area_ac = (ac[:, 2] - ac[:, 0]) * (ac[:, 3] - ac[:, 1])
    area_gt = (gt[..., 2] - gt[..., 0]) * (gt[..., 3] - gt[..., 1])
    union = area_ac[None, :, None] + area_gt[:, None, :] - inter
    iou = inter / (union + EPS)
    iou_scaled = jnp.round(iou * IOU_SCALE).astype(jnp.int32)   # (B, N_AC, N_GT)
    best_gt = jnp.argmax(iou_scaled, axis=-1)                   # (B, N_AC)
    max_iou = jnp.max(iou_scaled, axis=-1)                      # (B, N_AC)
    max_iou_per_gt = jnp.max(iou_scaled, axis=1)                # (B, N_GT)
    is_best_for_gt = (iou_scaled == max_iou_per_gt[:, None, :]) & (iou_scaled > NEG_TH_GTAC)
    pos = (max_iou >= POS_TH_ACGT) | jnp.any(is_best_for_gt, axis=-1)
    neg = (max_iou < NEG_TH_ACGT) & jnp.logical_not(pos)
    label = jnp.where(pos, 1.0, jnp.where(neg, 0.0, -1.0))      # (B, N_AC)
    gt_matched = jnp.take_along_axis(gt, best_gt[..., None], axis=1)  # (B, N_AC, 4)
    delta = _bbox2delta(gt_matched, ac[None, :, :])             # (B, N_AC, 4)
    return delta, label

if __name__ == "__main__":
    import jax
    _d = setup_inputs()
    print(jax.jit(kernel)(*tuple(_d.values())))

</pallas_src>

<mosaic_0001>
#map = affine_map<(d0, d1) -> (0)>
module attributes {stable_mosaic.version = 14 : i64} {
  func.func @_sc_delta_kernel(%arg0: i32, %arg1: i32, %arg2: memref<32768xf32, #tpu.memory_space<hbm>>, %arg3: memref<88576xi32, #tpu.memory_space<hbm>>, %arg4: memref<88576xf32, #tpu.memory_space<hbm>>, %arg5: memref<88576xf32, #tpu.memory_space<hbm>>, %arg6: memref<88576xf32, #tpu.memory_space<hbm>>, %arg7: memref<88576xf32, #tpu.memory_space<hbm>>, %arg8: memref<88576xf32, #tpu.memory_space<hbm>>, %arg9: memref<88576xf32, #tpu.memory_space<hbm>>, %arg10: memref<88576xf32, #tpu.memory_space<hbm>>, %arg11: memref<88576xf32, #tpu.memory_space<hbm>>, %arg12: memref<32768xf32, #tpu.memory_space<vmem>>, %arg13: memref<2768xi32, #tpu.memory_space<vmem>>, %arg14: memref<2768xf32, #tpu.memory_space<vmem>>, %arg15: memref<2768xf32, #tpu.memory_space<vmem>>, %arg16: memref<2768xf32, #tpu.memory_space<vmem>>, %arg17: memref<2768xf32, #tpu.memory_space<vmem>>, %arg18: memref<2768xf32, #tpu.memory_space<vmem>>, %arg19: memref<2768xf32, #tpu.memory_space<vmem>>, %arg20: memref<2768xf32, #tpu.memory_space<vmem>>, %arg21: memref<2768xf32, #tpu.memory_space<vmem>>) attributes {dimension_semantics = [#tpu.dimension_semantics<core_parallel>, #tpu.dimension_semantics<subcore_parallel>], iteration_bounds = array<i64: 2, 16>, scalar_prefetch = 0 : i64, scratch_operands = 10 : i64, tpu.core_type = #tpu.core_type<sc_vector_subcore>, window_params = [{transform_indices = #map}, {transform_indices = #map}, {transform_indices = #map}, {transform_indices = #map}, {transform_indices = #map}, {transform_indices = #map}, {transform_indices = #map}, {transform_indices = #map}, {transform_indices = #map}, {transform_indices = #map}]} {
    %mul3A = arith.constant 2 : i32
    %mul3A_0 = arith.muli %arg1, %mul3A : i32
    %add3A = arith.addi %mul3A_0, %arg0 : i32
    %mul3A_1 = arith.constant 2768 : i32
    %mul3A_2 = arith.muli %add3A, %mul3A_1 : i32
    "tpu.region"() ({
      %run_scoped3A = tpu.sem_alloc : memref<!tpu.dma_semaphore, #tpu.memory_space<semaphore_mem>>
      tpu.enqueue_dma source(%arg2 : memref<32768xf32, #tpu.memory_space<hbm>>) target(%arg12 : memref<32768xf32, #tpu.memory_space<vmem>>) target_semaphore(%run_scoped3A : memref<!tpu.dma_semaphore, #tpu.memory_space<semaphore_mem>>)
      tpu.wait_dma2 semaphore(%run_scoped3A : memref<!tpu.dma_semaphore, #tpu.memory_space<semaphore_mem>>) src(%arg2 : memref<32768xf32, #tpu.memory_space<hbm>>) dst(%arg12 : memref<32768xf32, #tpu.memory_space<vmem>>)
      tpu.yield
    }) : () -> ()
    "tpu.region"() ({
      %run_scoped3A = tpu.sem_alloc : memref<!tpu.dma_semaphore, #tpu.memory_space<semaphore_mem>>
      %dma_start3A = tpu.memref_slice %arg3[%mul3A_2] : memref<88576xi32, #tpu.memory_space<hbm>> -> memref<2768xi32, #tpu.memory_space<hbm>>
      %dma_start3A_8 = tpu.memref_slice %arg3[%mul3A_2] : memref<88576xi32, #tpu.memory_space<hbm>> -> memref<2768xi32, #tpu.memory_space<hbm>>
      tpu.enqueue_dma source(%dma_start3A_8 : memref<2768xi32, #tpu.memory_space<hbm>>) target(%arg13 : memref<2768xi32, #tpu.memory_space<vmem>>) target_semaphore(%run_scoped3A : memref<!tpu.dma_semaphore, #tpu.memory_space<semaphore_mem>>)
      %dma_wait3A = tpu.memref_slice %arg3[%mul3A_2] : memref<88576xi32, #tpu.memory_space<hbm>> -> memref<2768xi32, #tpu.memory_space<hbm>>
      %dma_wait3A_9 = tpu.memref_slice %arg3[%mul3A_2] : memref<88576xi32, #tpu.memory_space<hbm>> -> memref<2768xi32, #tpu.memory_space<hbm>>
      tpu.wait_dma2 semaphore(%run_scoped3A : memref<!tpu.dma_semaphore, #tpu.memory_space<semaphore_mem>>) src(%dma_wait3A_9 : memref<2768xi32, #tpu.memory_space<hbm>>) dst(%arg13 : memref<2768xi32, #tpu.memory_space<vmem>>)
      tpu.yield
    }) : () -> ()
    "tpu.region"() ({
      %run_scoped3A = tpu.sem_alloc : memref<!tpu.dma_semaphore, #tpu.memory_space<semaphore_mem>>
      %dma_start3A = tpu.memref_slice %arg4[%mul3A_2] : memref<88576xf32, #tpu.memory_space<hbm>> -> memref<2768xf32, #tpu.memory_space<hbm>>
      %dma_start3A_8 = tpu.memref_slice %arg4[%mul3A_2] : memref<88576xf32, #tpu.memory_space<hbm>> -> memref<2768xf32, #tpu.memory_space<hbm>>
      tpu.enqueue_dma source(%dma_start3A_8 : memref<2768xf32, #tpu.memory_space<hbm>>) target(%arg14 : memref<2768xf32, #tpu.memory_space<vmem>>) target_semaphore(%run_scoped3A : memref<!tpu.dma_semaphore, #tpu.memory_space<semaphore_mem>>)
      %dma_wait3A = tpu.memref_slice %arg4[%mul3A_2] : memref<88576xf32, #tpu.memory_space<hbm>> -> memref<2768xf32, #tpu.memory_space<hbm>>
      %dma_wait3A_9 = tpu.memref_slice %arg4[%mul3A_2] : memref<88576xf32, #tpu.memory_space<hbm>> -> memref<2768xf32, #tpu.memory_space<hbm>>
      tpu.wait_dma2 semaphore(%run_scoped3A : memref<!tpu.dma_semaphore, #tpu.memory_space<semaphore_mem>>) src(%dma_wait3A_9 : memref<2768xf32, #tpu.memory_space<hbm>>) dst(%arg14 : memref<2768xf32, #tpu.memory_space<vmem>>)
      tpu.yield
    }) : () -> ()
    "tpu.region"() ({
      %run_scoped3A = tpu.sem_alloc : memref<!tpu.dma_semaphore, #tpu.memory_space<semaphore_mem>>
      %dma_start3A = tpu.memref_slice %arg5[%mul3A_2] : memref<88576xf32, #tpu.memory_space<hbm>> -> memref<2768xf32, #tpu.memory_space<hbm>>
      %dma_start3A_8 = tpu.memref_slice %arg5[%mul3A_2] : memref<88576xf32, #tpu.memory_space<hbm>> -> memref<2768xf32, #tpu.memory_space<hbm>>
      tpu.enqueue_dma source(%dma_start3A_8 : memref<2768xf32, #tpu.memory_space<hbm>>) target(%arg15 : memref<2768xf32, #tpu.memory_space<vmem>>) target_semaphore(%run_scoped3A : memref<!tpu.dma_semaphore, #tpu.memory_space<semaphore_mem>>)
      %dma_wait3A = tpu.memref_slice %arg5[%mul3A_2] : memref<88576xf32, #tpu.memory_space<hbm>> -> memref<2768xf32, #tpu.memory_space<hbm>>
      %dma_wait3A_9 = tpu.memref_slice %arg5[%mul3A_2] : memref<88576xf32, #tpu.memory_space<hbm>> -> memref<2768xf32, #tpu.memory_space<hbm>>
      tpu.wait_dma2 semaphore(%run_scoped3A : memref<!tpu.dma_semaphore, #tpu.memory_space<semaphore_mem>>) src(%dma_wait3A_9 : memref<2768xf32, #tpu.memory_space<hbm>>) dst(%arg15 : memref<2768xf32, #tpu.memory_space<vmem>>)
      tpu.yield
    }) : () -> ()
    "tpu.region"() ({
      %run_scoped3A = tpu.sem_alloc : memref<!tpu.dma_semaphore, #tpu.memory_space<semaphore_mem>>
      %dma_start3A = tpu.memref_slice %arg6[%mul3A_2] : memref<88576xf32, #tpu.memory_space<hbm>> -> memref<2768xf32, #tpu.memory_space<hbm>>
      %dma_start3A_8 = tpu.memref_slice %arg6[%mul3A_2] : memref<88576xf32, #tpu.memory_space<hbm>> -> memref<2768xf32, #tpu.memory_space<hbm>>
      tpu.enqueue_dma source(%dma_start3A_8 : memref<2768xf32, #tpu.memory_space<hbm>>) target(%arg16 : memref<2768xf32, #tpu.memory_space<vmem>>) target_semaphore(%run_scoped3A : memref<!tpu.dma_semaphore, #tpu.memory_space<semaphore_mem>>)
      %dma_wait3A = tpu.memref_slice %arg6[%mul3A_2] : memref<88576xf32, #tpu.memory_space<hbm>> -> memref<2768xf32, #tpu.memory_space<hbm>>
      %dma_wait3A_9 = tpu.memref_slice %arg6[%mul3A_2] : memref<88576xf32, #tpu.memory_space<hbm>> -> memref<2768xf32, #tpu.memory_space<hbm>>
      tpu.wait_dma2 semaphore(%run_scoped3A : memref<!tpu.dma_semaphore, #tpu.memory_space<semaphore_mem>>) src(%dma_wait3A_9 : memref<2768xf32, #tpu.memory_space<hbm>>) dst(%arg16 : memref<2768xf32, #tpu.memory_space<vmem>>)
      tpu.yield
    }) : () -> ()
    "tpu.region"() ({
      %run_scoped3A = tpu.sem_alloc : memref<!tpu.dma_semaphore, #tpu.memory_space<semaphore_mem>>
      %dma_start3A = tpu.memref_slice %arg7[%mul3A_2] : memref<88576xf32, #tpu.memory_space<hbm>> -> memref<2768xf32, #tpu.memory_space<hbm>>
      %dma_start3A_8 = tpu.memref_slice %arg7[%mul3A_2] : memref<88576xf32, #tpu.memory_space<hbm>> -> memref<2768xf32, #tpu.memory_space<hbm>>
      tpu.enqueue_dma source(%dma_start3A_8 : memref<2768xf32, #tpu.memory_space<hbm>>) target(%arg17 : memref<2768xf32, #tpu.memory_space<vmem>>) target_semaphore(%run_scoped3A : memref<!tpu.dma_semaphore, #tpu.memory_space<semaphore_mem>>)
      %dma_wait3A = tpu.memref_slice %arg7[%mul3A_2] : memref<88576xf32, #tpu.memory_space<hbm>> -> memref<2768xf32, #tpu.memory_space<hbm>>
      %dma_wait3A_9 = tpu.memref_slice %arg7[%mul3A_2] : memref<88576xf32, #tpu.memory_space<hbm>> -> memref<2768xf32, #tpu.memory_space<hbm>>
      tpu.wait_dma2 semaphore(%run_scoped3A : memref<!tpu.dma_semaphore, #tpu.memory_space<semaphore_mem>>) src(%dma_wait3A_9 : memref<2768xf32, #tpu.memory_space<hbm>>) dst(%arg17 : memref<2768xf32, #tpu.memory_space<vmem>>)
      tpu.yield
    }) : () -> ()
    %scan3A = arith.constant 0 : i32
    %scan3A_3 = arith.constant 0 : i32
    %scan3A_4 = arith.constant 173 : i32
    %scan3A_5 = arith.addi %scan3A_3, %scan3A_4 : i32
    %scan3A_6 = arith.constant 1 : i32
    scf.for %scan3A_8 = %scan3A_3 to %scan3A_5 step %scan3A_6  : i32 {
      %mul3A_9 = arith.constant 16 : i32
      %mul3A_10 = arith.muli %scan3A_8, %mul3A_9 : i32
      %get3A = arith.index_cast %mul3A_10 : i32 to index
      %get3A_11 = tpu.vector_load %arg13[%get3A] {strides = array<i32>} : memref<2768xi32, #tpu.memory_space<vmem>>, vector<16xi32>,
      %mul3A_12 = arith.constant 4 : i32
      %mul3A_13 = vector.broadcast %mul3A_12 : i32 to vector<16xi32>
      %mul3A_14 = arith.muli %get3A_11, %mul3A_13 : vector<16xi32>
      %gather3A = tpu.vector_load_idx %arg12[%mul3A_14] : memref<32768xf32, #tpu.memory_space<vmem>>[vector<16xi32>], vector<16xf32>,
      %add3A_15 = arith.constant 1 : i32
      %add3A_16 = vector.broadcast %add3A_15 : i32 to vector<16xi32>
      %add3A_17 = arith.addi %mul3A_14, %add3A_16 : vector<16xi32>
      %gather3A_18 = tpu.vector_load_idx %arg12[%add3A_17] : memref<32768xf32, #tpu.memory_space<vmem>>[vector<16xi32>], vector<16xf32>,
      %add3A_19 = arith.constant 2 : i32
      %add3A_20 = vector.broadcast %add3A_19 : i32 to vector<16xi32>
      %add3A_21 = arith.addi %mul3A_14, %add3A_20 : vector<16xi32>
      %gather3A_22 = tpu.vector_load_idx %arg12[%add3A_21] : memref<32768xf32, #tpu.memory_space<vmem>>[vector<16xi32>], vector<16xf32>,
      %add3A_23 = arith.constant 3 : i32
      %add3A_24 = vector.broadcast %add3A_23 : i32 to vector<16xi32>
      %add3A_25 = arith.addi %mul3A_14, %add3A_24 : vector<16xi32>
      %gather3A_26 = tpu.vector_load_idx %arg12[%add3A_25] : memref<32768xf32, #tpu.memory_space<vmem>>[vector<16xi32>], vector<16xf32>,
      %get3A_27 = arith.index_cast %mul3A_10 : i32 to index
      %get3A_28 = tpu.vector_load %arg14[%get3A_27] {strides = array<i32>} : memref<2768xf32, #tpu.memory_space<vmem>>, vector<16xf32>,
      %get3A_29 = arith.index_cast %mul3A_10 : i32 to index
      %get3A_30 = tpu.vector_load %arg15[%get3A_29] {strides = array<i32>} : memref<2768xf32, #tpu.memory_space<vmem>>, vector<16xf32>,
      %get3A_31 = arith.index_cast %mul3A_10 : i32 to index
      %get3A_32 = tpu.vector_load %arg16[%get3A_31] {strides = array<i32>} : memref<2768xf32, #tpu.memory_space<vmem>>, vector<16xf32>,
      %get3A_33 = arith.index_cast %mul3A_10 : i32 to index
      %get3A_34 = tpu.vector_load %arg17[%get3A_33] {strides = array<i32>} : memref<2768xf32, #tpu.memory_space<vmem>>, vector<16xf32>,
      %sub3A = arith.subf %gather3A_22, %gather3A : vector<16xf32>
      %sub3A_35 = arith.subf %gather3A_26, %gather3A_18 : vector<16xf32>
      %mul3A_36 = arith.constant 5.000000e-01 : f32
      %mul3A_37 = vector.broadcast %mul3A_36 : f32 to vector<16xf32>
      %mul3A_38 = arith.mulf %mul3A_37, %sub3A : vector<16xf32>
      %add3A_39 = arith.addf %gather3A, %mul3A_38 : vector<16xf32>
      %mul3A_40 = arith.constant 5.000000e-01 : f32
      %mul3A_41 = vector.broadcast %mul3A_40 : f32 to vector<16xf32>
      %mul3A_42 = arith.mulf %mul3A_41, %sub3A_35 : vector<16xf32>
      %add3A_43 = arith.addf %gather3A_18, %mul3A_42 : vector<16xf32>
      %sub3A_44 = arith.subf %add3A_39, %get3A_32 : vector<16xf32>
      %div3A = arith.divf %sub3A_44, %get3A_28 : vector<16xf32>
      %swap3A = arith.index_cast %mul3A_10 : i32 to index
      %swap3A_45 = tpu.vector_load %arg18[%swap3A] {strides = array<i32>} : memref<2768xf32, #tpu.memory_space<vmem>>, vector<16xf32>,
      tpu.vector_store %arg18[%swap3A], %div3A {strides = array<i32>} : memref<2768xf32, #tpu.memory_space<vmem>>, vector<16xf32>,
      %sub3A_46 = arith.subf %add3A_43, %get3A_34 : vector<16xf32>
      %div3A_47 = arith.divf %sub3A_46, %get3A_30 : vector<16xf32>
      %swap3A_48 = arith.index_cast %mul3A_10 : i32 to index
      %swap3A_49 = tpu.vector_load %arg19[%swap3A_48] {strides = array<i32>} : memref<2768xf32, #tpu.memory_space<vmem>>, vector<16xf32>,
      tpu.vector_store %arg19[%swap3A_48], %div3A_47 {strides = array<i32>} : memref<2768xf32, #tpu.memory_space<vmem>>, vector<16xf32>,
      %max3A = arith.constant 9.99999974E-5 : f32
      %max3A_50 = vector.broadcast %max3A : f32 to vector<16xf32>
      %max3A_51 = arith.maximumf %sub3A, %max3A_50 : vector<16xf32>
      %div3A_52 = arith.divf %max3A_51, %get3A_28 : vector<16xf32>
      %bitcast3A = vector.bitcast %div3A_52 : vector<16xf32> to vector<16xi32>
      %shift_right_arithmetic3A = arith.constant 23 : i32
      %shift_right_arithmetic3A_53 = vector.broadcast %shift_right_arithmetic3A : i32 to vector<16xi32>
      %shift_right_arithmetic3A_54 = arith.shrsi %bitcast3A, %shift_right_arithmetic3A_53 : vector<16xi32>
      %sub3A_55 = arith.constant 127 : i32
      %sub3A_56 = vector.broadcast %sub3A_55 : i32 to vector<16xi32>
      %sub3A_57 = arith.subi %shift_right_arithmetic3A_54, %sub3A_56 : vector<16xi32>
      %and3A = arith.constant 8388607 : i32
      %and3A_58 = vector.broadcast %and3A : i32 to vector<16xi32>
      %and3A_59 = arith.andi %bitcast3A, %and3A_58 : vector<16xi32>
      %or3A = arith.constant 1065353216 : i32
      %or3A_60 = vector.broadcast %or3A : i32 to vector<16xi32>
      %or3A_61 = arith.ori %and3A_59, %or3A_60 : vector<16xi32>
      %bitcast3A_62 = vector.bitcast %or3A_61 : vector<16xi32> to vector<16xf32>
      %gt3A = arith.constant 1.41421354 : f32
      %gt3A_63 = vector.broadcast %gt3A : f32 to vector<16xf32>
      %gt3A_64 = arith.cmpf ogt, %bitcast3A_62, %gt3A_63 : vector<16xf32>
      %mul3A_65 = arith.constant 5.000000e-01 : f32
      %mul3A_66 = vector.broadcast %mul3A_65 : f32 to vector<16xf32>
      %mul3A_67 = arith.mulf %bitcast3A_62, %mul3A_66 : vector<16xf32>
      %select_n3A = arith.select %gt3A_64, %mul3A_67, %bitcast3A_62 : vector<16xi1>, vector<16xf32>
      %add3A_68 = arith.constant 1 : i32
      %add3A_69 = vector.broadcast %add3A_68 : i32 to vector<16xi32>
      %add3A_70 = arith.addi %sub3A_57, %add3A_69 : vector<16xi32>
      %select_n3A_71 = arith.select %gt3A_64, %add3A_70, %sub3A_57 : vector<16xi1>, vector<16xi32>
      %convert_element_type3A = arith.sitofp %select_n3A_71 : vector<16xi32> to vector<16xf32>
      %sub3A_72 = arith.constant 1.000000e+00 : f32
      %sub3A_73 = vector.broadcast %sub3A_72 : f32 to vector<16xf32>
      %sub3A_74 = arith.subf %select_n3A, %sub3A_73 : vector<16xf32>
      %add3A_75 = arith.constant 1.000000e+00 : f32
      %add3A_76 = vector.broadcast %add3A_75 : f32 to vector<16xf32>
      %add3A_77 = arith.addf %select_n3A, %add3A_76 : vector<16xf32>
      %div3A_78 = arith.divf %sub3A_74, %add3A_77 : vector<16xf32>
      %mul3A_79 = arith.mulf %div3A_78, %div3A_78 : vector<16xf32>
      %mul3A_80 = arith.constant 0.181818187 : f32
      %mul3A_81 = vector.broadcast %mul3A_80 : f32 to vector<16xf32>
      %mul3A_82 = arith.mulf %mul3A_79, %mul3A_81 : vector<16xf32>
      %add3A_83 = arith.constant 0.222222224 : f32
      %add3A_84 = vector.broadcast %add3A_83 : f32 to vector<16xf32>
      %add3A_85 = arith.addf %add3A_84, %mul3A_82 : vector<16xf32>
      %mul3A_86 = arith.mulf %mul3A_79, %add3A_85 : vector<16xf32>
      %add3A_87 = arith.constant 0.285714298 : f32
      %add3A_88 = vector.broadcast %add3A_87 : f32 to vector<16xf32>
      %add3A_89 = arith.addf %add3A_88, %mul3A_86 : vector<16xf32>
      %mul3A_90 = arith.mulf %mul3A_79, %add3A_89 : vector<16xf32>
      %add3A_91 = arith.constant 4.000000e-01 : f32
      %add3A_92 = vector.broadcast %add3A_91 : f32 to vector<16xf32>
      %add3A_93 = arith.addf %add3A_92, %mul3A_90 : vector<16xf32>
      %mul3A_94 = arith.mulf %mul3A_79, %add3A_93 : vector<16xf32>
      %add3A_95 = arith.constant 0.666666686 : f32
      %add3A_96 = vector.broadcast %add3A_95 : f32 to vector<16xf32>
      %add3A_97 = arith.addf %add3A_96, %mul3A_94 : vector<16xf32>
      %mul3A_98 = arith.mulf %mul3A_79, %add3A_97 : vector<16xf32>
      %add3A_99 = arith.constant 2.000000e+00 : f32
      %add3A_100 = vector.broadcast %add3A_99 : f32 to vector<16xf32>
      %add3A_101 = arith.addf %add3A_100, %mul3A_98 : vector<16xf32>
      %mul3A_102 = arith.constant 0.693147182 : f32
      %mul3A_103 = vector.broadcast %mul3A_102 : f32 to vector<16xf32>
      %mul3A_104 = arith.mulf %convert_element_type3A, %mul3A_103 : vector<16xf32>
      %mul3A_105 = arith.mulf %div3A_78, %add3A_101 : vector<16xf32>
      %add3A_106 = arith.addf %mul3A_104, %mul3A_105 : vector<16xf32>
      %swap3A_107 = arith.index_cast %mul3A_10 : i32 to index
      %swap3A_108 = tpu.vector_load %arg20[%swap3A_107] {strides = array<i32>} : memref<2768xf32, #tpu.memory_space<vmem>>, vector<16xf32>,
      tpu.vector_store %arg20[%swap3A_107], %add3A_106 {strides = array<i32>} : memref<2768xf32, #tpu.memory_space<vmem>>, vector<16xf32>,
      %max3A_109 = arith.constant 9.99999974E-5 : f32
      %max3A_110 = vector.broadcast %max3A_109 : f32 to vector<16xf32>
      %max3A_111 = arith.maximumf %sub3A_35, %max3A_110 : vector<16xf32>
      %div3A_112 = arith.divf %max3A_111, %get3A_30 : vector<16xf32>
      %bitcast3A_113 = vector.bitcast %div3A_112 : vector<16xf32> to vector<16xi32>
      %shift_right_arithmetic3A_114 = arith.constant 23 : i32
      %shift_right_arithmetic3A_115 = vector.broadcast %shift_right_arithmetic3A_114 : i32 to vector<16xi32>
      %shift_right_arithmetic3A_116 = arith.shrsi %bitcast3A_113, %shift_right_arithmetic3A_115 : vector<16xi32>
      %sub3A_117 = arith.constant 127 : i32
      %sub3A_118 = vector.broadcast %sub3A_117 : i32 to vector<16xi32>
      %sub3A_119 = arith.subi %shift_right_arithmetic3A_116, %sub3A_118 : vector<16xi32>
      %and3A_120 = arith.constant 8388607 : i32
      %and3A_121 = vector.broadcast %and3A_120 : i32 to vector<16xi32>
      %and3A_122 = arith.andi %bitcast3A_113, %and3A_121 : vector<16xi32>
      %or3A_123 = arith.constant 1065353216 : i32
      %or3A_124 = vector.broadcast %or3A_123 : i32 to vector<16xi32>
      %or3A_125 = arith.ori %and3A_122, %or3A_124 : vector<16xi32>
      %bitcast3A_126 = vector.bitcast %or3A_125 : vector<16xi32> to vector<16xf32>
      %gt3A_127 = arith.constant 1.41421354 : f32
      %gt3A_128 = vector.broadcast %gt3A_127 : f32 to vector<16xf32>
      %gt3A_129 = arith.cmpf ogt, %bitcast3A_126, %gt3A_128 : vector<16xf32>
      %mul3A_130 = arith.constant 5.000000e-01 : f32
      %mul3A_131 = vector.broadcast %mul3A_130 : f32 to vector<16xf32>
      %mul3A_132 = arith.mulf %bitcast3A_126, %mul3A_131 : vector<16xf32>
      %select_n3A_133 = arith.select %gt3A_129, %mul3A_132, %bitcast3A_126 : vector<16xi1>, vector<16xf32>
      %add3A_134 = arith.constant 1 : i32
      %add3A_135 = vector.broadcast %add3A_134 : i32 to vector<16xi32>
      %add3A_136 = arith.addi %sub3A_119, %add3A_135 : vector<16xi32>
      %select_n3A_137 = arith.select %gt3A_129, %add3A_136, %sub3A_119 : vector<16xi1>, vector<16xi32>
      %convert_element_type3A_138 = arith.sitofp %select_n3A_137 : vector<16xi32> to vector<16xf32>
      %sub3A_139 = arith.constant 1.000000e+00 : f32
      %sub3A_140 = vector.broadcast %sub3A_139 : f32 to vector<16xf32>
      %sub3A_141 = arith.subf %select_n3A_133, %sub3A_140 : vector<16xf32>
      %add3A_142 = arith.constant 1.000000e+00 : f32
      %add3A_143 = vector.broadcast %add3A_142 : f32 to vector<16xf32>
      %add3A_144 = arith.addf %select_n3A_133, %add3A_143 : vector<16xf32>
      %div3A_145 = arith.divf %sub3A_141, %add3A_144 : vector<16xf32>
      %mul3A_146 = arith.mulf %div3A_145, %div3A_145 : vector<16xf32>
      %mul3A_147 = arith.constant 0.181818187 : f32
      %mul3A_148 = vector.broadcast %mul3A_147 : f32 to vector<16xf32>
      %mul3A_149 = arith.mulf %mul3A_146, %mul3A_148 : vector<16xf32>
      %add3A_150 = arith.constant 0.222222224 : f32
      %add3A_151 = vector.broadcast %add3A_150 : f32 to vector<16xf32>
      %add3A_152 = arith.addf %add3A_151, %mul3A_149 : vector<16xf32>
      %mul3A_153 = arith.mulf %mul3A_146, %add3A_152 : vector<16xf32>
      %add3A_154 = arith.constant 0.285714298 : f32
      %add3A_155 = vector.broadcast %add3A_154 : f32 to vector<16xf32>
      %add3A_156 = arith.addf %add3A_155, %mul3A_153 : vector<16xf32>
      %mul3A_157 = arith.mulf %mul3A_146, %add3A_156 : vector<16xf32>
      %add3A_158 = arith.constant 4.000000e-01 : f32
      %add3A_159 = vector.broadcast %add3A_158 : f32 to vector<16xf32>
      %add3A_160 = arith.addf %add3A_159, %mul3A_157 : vector<16xf32>
      %mul3A_161 = arith.mulf %mul3A_146, %add3A_160 : vector<16xf32>
      %add3A_162 = arith.constant 0.666666686 : f32
      %add3A_163 = vector.broadcast %add3A_162 : f32 to vector<16xf32>
      %add3A_164 = arith.addf %add3A_163, %mul3A_161 : vector<16xf32>
      %mul3A_165 = arith.mulf %mul3A_146, %add3A_164 : vector<16xf32>
      %add3A_166 = arith.constant 2.000000e+00 : f32
      %add3A_167 = vector.broadcast %add3A_166 : f32 to vector<16xf32>
      %add3A_168 = arith.addf %add3A_167, %mul3A_165 : vector<16xf32>
      %mul3A_169 = arith.constant 0.693147182 : f32
      %mul3A_170 = vector.broadcast %mul3A_169 : f32 to vector<16xf32>
      %mul3A_171 = arith.mulf %convert_element_type3A_138, %mul3A_170 : vector<16xf32>
      %mul3A_172 = arith.mulf %div3A_145, %add3A_168 : vector<16xf32>
      %add3A_173 = arith.addf %mul3A_171, %mul3A_172 : vector<16xf32>
      %swap3A_174 = arith.index_cast %mul3A_10 : i32 to index
      %swap3A_175 = tpu.vector_load %arg21[%swap3A_174] {strides = array<i32>} : memref<2768xf32, #tpu.memory_space<vmem>>, vector<16xf32>,
      tpu.vector_store %arg21[%swap3A_174], %add3A_173 {strides = array<i32>} : memref<2768xf32, #tpu.memory_space<vmem>>, vector<16xf32>,
    }
    %scan3A_7 = arith.constant 173 : i32
    "tpu.region"() ({
      %run_scoped3A = tpu.sem_alloc : memref<!tpu.dma_semaphore, #tpu.memory_space<semaphore_mem>>
      %dma_start3A = tpu.memref_slice %arg8[%mul3A_2] : memref<88576xf32, #tpu.memory_space<hbm>> -> memref<2768xf32, #tpu.memory_space<hbm>>
      %dma_start3A_8 = tpu.memref_slice %arg8[%mul3A_2] : memref<88576xf32, #tpu.memory_space<hbm>> -> memref<2768xf32, #tpu.memory_space<hbm>>
      tpu.enqueue_dma source(%arg18 : memref<2768xf32, #tpu.memory_space<vmem>>) target(%dma_start3A_8 : memref<2768xf32, #tpu.memory_space<hbm>>) target_semaphore(%run_scoped3A : memref<!tpu.dma_semaphore, #tpu.memory_space<semaphore_mem>>)
      %dma_wait3A = tpu.memref_slice %arg8[%mul3A_2] : memref<88576xf32, #tpu.memory_space<hbm>> -> memref<2768xf32, #tpu.memory_space<hbm>>
      %dma_wait3A_9 = tpu.memref_slice %arg8[%mul3A_2] : memref<88576xf32, #tpu.memory_space<hbm>> -> memref<2768xf32, #tpu.memory_space<hbm>>
      tpu.wait_dma2 semaphore(%run_scoped3A : memref<!tpu.dma_semaphore, #tpu.memory_space<semaphore_mem>>) src(%arg18 : memref<2768xf32, #tpu.memory_space<vmem>>) dst(%dma_wait3A_9 : memref<2768xf32, #tpu.memory_space<hbm>>)
      tpu.yield
    }) : () -> ()
    "tpu.region"() ({
      %run_scoped3A = tpu.sem_alloc : memref<!tpu.dma_semaphore, #tpu.memory_space<semaphore_mem>>
      %dma_start3A = tpu.memref_slice %arg9[%mul3A_2] : memref<88576xf32, #tpu.memory_space<hbm>> -> memref<2768xf32, #tpu.memory_space<hbm>>
      %dma_start3A_8 = tpu.memref_slice %arg9[%mul3A_2] : memref<88576xf32, #tpu.memory_space<hbm>> -> memref<2768xf32, #tpu.memory_space<hbm>>
      tpu.enqueue_dma source(%arg19 : memref<2768xf32, #tpu.memory_space<vmem>>) target(%dma_start3A_8 : memref<2768xf32, #tpu.memory_space<hbm>>) target_semaphore(%run_scoped3A : memref<!tpu.dma_semaphore, #tpu.memory_space<semaphore_mem>>)
      %dma_wait3A = tpu.memref_slice %arg9[%mul3A_2] : memref<88576xf32, #tpu.memory_space<hbm>> -> memref<2768xf32, #tpu.memory_space<hbm>>
      %dma_wait3A_9 = tpu.memref_slice %arg9[%mul3A_2] : memref<88576xf32, #tpu.memory_space<hbm>> -> memref<2768xf32, #tpu.memory_space<hbm>>
      tpu.wait_dma2 semaphore(%run_scoped3A : memref<!tpu.dma_semaphore, #tpu.memory_space<semaphore_mem>>) src(%arg19 : memref<2768xf32, #tpu.memory_space<vmem>>) dst(%dma_wait3A_9 : memref<2768xf32, #tpu.memory_space<hbm>>)
      tpu.yield
    }) : () -> ()
    "tpu.region"() ({
      %run_scoped3A = tpu.sem_alloc : memref<!tpu.dma_semaphore, #tpu.memory_space<semaphore_mem>>
      %dma_start3A = tpu.memref_slice %arg10[%mul3A_2] : memref<88576xf32, #tpu.memory_space<hbm>> -> memref<2768xf32, #tpu.memory_space<hbm>>
      %dma_start3A_8 = tpu.memref_slice %arg10[%mul3A_2] : memref<88576xf32, #tpu.memory_space<hbm>> -> memref<2768xf32, #tpu.memory_space<hbm>>
      tpu.enqueue_dma source(%arg20 : memref<2768xf32, #tpu.memory_space<vmem>>) target(%dma_start3A_8 : memref<2768xf32, #tpu.memory_space<hbm>>) target_semaphore(%run_scoped3A : memref<!tpu.dma_semaphore, #tpu.memory_space<semaphore_mem>>)
      %dma_wait3A = tpu.memref_slice %arg10[%mul3A_2] : memref<88576xf32, #tpu.memory_space<hbm>> -> memref<2768xf32, #tpu.memory_space<hbm>>
      %dma_wait3A_9 = tpu.memref_slice %arg10[%mul3A_2] : memref<88576xf32, #tpu.memory_space<hbm>> -> memref<2768xf32, #tpu.memory_space<hbm>>
      tpu.wait_dma2 semaphore(%run_scoped3A : memref<!tpu.dma_semaphore, #tpu.memory_space<semaphore_mem>>) src(%arg20 : memref<2768xf32, #tpu.memory_space<vmem>>) dst(%dma_wait3A_9 : memref<2768xf32, #tpu.memory_space<hbm>>)
      tpu.yield
    }) : () -> ()
    "tpu.region"() ({
      %run_scoped3A = tpu.sem_alloc : memref<!tpu.dma_semaphore, #tpu.memory_space<semaphore_mem>>
      %dma_start3A = tpu.memref_slice %arg11[%mul3A_2] : memref<88576xf32, #tpu.memory_space<hbm>> -> memref<2768xf32, #tpu.memory_space<hbm>>
      %dma_start3A_8 = tpu.memref_slice %arg11[%mul3A_2] : memref<88576xf32, #tpu.memory_space<hbm>> -> memref<2768xf32, #tpu.memory_space<hbm>>
      tpu.enqueue_dma source(%arg21 : memref<2768xf32, #tpu.memory_space<vmem>>) target(%dma_start3A_8 : memref<2768xf32, #tpu.memory_space<hbm>>) target_semaphore(%run_scoped3A : memref<!tpu.dma_semaphore, #tpu.memory_space<semaphore_mem>>)
      %dma_wait3A = tpu.memref_slice %arg11[%mul3A_2] : memref<88576xf32, #tpu.memory_space<hbm>> -> memref<2768xf32, #tpu.memory_space<hbm>>
      %dma_wait3A_9 = tpu.memref_slice %arg11[%mul3A_2] : memref<88576xf32, #tpu.memory_space<hbm>> -> memref<2768xf32, #tpu.memory_space<hbm>>
      tpu.wait_dma2 semaphore(%run_scoped3A : memref<!tpu.dma_semaphore, #tpu.memory_space<semaphore_mem>>) src(%arg21 : memref<2768xf32, #tpu.memory_space<vmem>>) dst(%dma_wait3A_9 : memref<2768xf32, #tpu.memory_space<hbm>>)
      tpu.yield
    }) : () -> ()
    return
  }
}

module attributes {stable_mosaic.version = 14 : i64} {
  func.func @_tc_body(%arg0: i32, %arg1: memref<8x128x4xf32, #tpu.memory_space<vmem>>, %arg2: memref<5x1384xf32, #tpu.memory_space<vmem>>, %arg3: memref<128x1384xf32, #tpu.memory_space<vmem>>, %arg4: memref<8x1x1384xi32, #tpu.memory_space<vmem>>, %arg5: memref<8x1x1384xf32, #tpu.memory_space<vmem>>) attributes {dimension_semantics = [#tpu.dimension_semantics<arbitrary>], iteration_bounds = array<i64: 8>, scalar_prefetch = 0 : i64, scratch_operands = 0 : i64, tpu.core_type = #tpu.core_type<tc>, window_params = [{transform_indices = @transform_0, window_bounds = array<i64: 8, 128, 4>}, {pipeline_mode = #tpu.pipeline_mode<synchronous>, transform_indices = @transform_1, window_bounds = array<i64: 5, 1384>}, {pipeline_mode = #tpu.pipeline_mode<synchronous>, transform_indices = @transform_2, window_bounds = array<i64: 128, 1384>}, {transform_indices = @transform_3, window_bounds = array<i64: 8, 1, 1384>}, {transform_indices = @transform_4, window_bounds = array<i64: 8, 1, 1384>}]} {
    %get3A = arith.constant 0 : index
    %get3A_0 = arith.constant 0 : index
    %get3A_1 = arith.constant 0 : index
    %get3A_2 = vector.load %arg1[%get3A, %get3A_0, %get3A_1] : memref<8x128x4xf32, #tpu.memory_space<vmem>>, vector<1x128x1xf32>
    %get3A_3 = vector.shape_cast %get3A_2 : vector<1x128x1xf32> to vector<128x1xf32>
    %get3A_4 = arith.constant 0 : index
    %get3A_5 = arith.constant 0 : index
    %get3A_6 = arith.constant 1 : index
    %get3A_7 = vector.load %arg1[%get3A_4, %get3A_5, %get3A_6] : memref<8x128x4xf32, #tpu.memory_space<vmem>>, vector<1x128x1xf32>
    %get3A_8 = vector.shape_cast %get3A_7 : vector<1x128x1xf32> to vector<128x1xf32>
    %get3A_9 = arith.constant 0 : index
    %get3A_10 = arith.constant 0 : index
    %get3A_11 = arith.constant 2 : index
    %get3A_12 = vector.load %arg1[%get3A_9, %get3A_10, %get3A_11] : memref<8x128x4xf32, #tpu.memory_space<vmem>>, vector<1x128x1xf32>
    %get3A_13 = vector.shape_cast %get3A_12 : vector<1x128x1xf32> to vector<128x1xf32>
    %get3A_14 = arith.constant 0 : index
    %get3A_15 = arith.constant 0 : index
    %get3A_16 = arith.constant 3 : index
    %get3A_17 = vector.load %arg1[%get3A_14, %get3A_15, %get3A_16] : memref<8x128x4xf32, #tpu.memory_space<vmem>>, vector<1x128x1xf32>
    %get3A_18 = vector.shape_cast %get3A_17 : vector<1x128x1xf32> to vector<128x1xf32>
    %get3A_19 = arith.constant 0 : index
    %get3A_20 = arith.constant 0 : index
    %get3A_21 = vector.load %arg2[%get3A_19, %get3A_20] : memref<5x1384xf32, #tpu.memory_space<vmem>>, vector<1x1384xf32>
    %get3A_22 = arith.constant 1 : index
    %get3A_23 = arith.constant 0 : index
    %get3A_24 = vector.load %arg2[%get3A_22, %get3A_23] : memref<5x1384xf32, #tpu.memory_space<vmem>>, vector<1x1384xf32>
    %get3A_25 = arith.constant 2 : index
    %get3A_26 = arith.constant 0 : index
    %get3A_27 = vector.load %arg2[%get3A_25, %get3A_26] : memref<5x1384xf32, #tpu.memory_space<vmem>>, vector<1x1384xf32>
    %get3A_28 = arith.constant 3 : index
    %get3A_29 = arith.constant 0 : index
    %get3A_30 = vector.load %arg2[%get3A_28, %get3A_29] : memref<5x1384xf32, #tpu.memory_space<vmem>>, vector<1x1384xf32>
    %get3A_31 = arith.constant 4 : index
    %get3A_32 = arith.constant 0 : index
    %get3A_33 = vector.load %arg2[%get3A_31, %get3A_32] : memref<5x1384xf32, #tpu.memory_space<vmem>>, vector<1x1384xf32>
    %min3A = vector.broadcast %get3A_27 : vector<1x1384xf32> to vector<128x1384xf32>
    %min3A_34 = vector.broadcast %get3A_13 : vector<128x1xf32> to vector<128x1384xf32>
    %min3A_35 = arith.minimumf %min3A, %min3A_34 : vector<128x1384xf32>
    %max3A = vector.broadcast %get3A_21 : vector<1x1384xf32> to vector<128x1384xf32>
    %max3A_36 = vector.broadcast %get3A_3 : vector<128x1xf32> to vector<128x1384xf32>
    %max3A_37 = arith.maximumf %max3A, %max3A_36 : vector<128x1384xf32>
    %sub3A = arith.subf %min3A_35, %max3A_37 : vector<128x1384xf32>
    %max3A_38 = arith.constant 0.000000e+00 : f32
    %max3A_39 = vector.broadcast %max3A_38 : f32 to vector<128x1384xf32>
    %max3A_40 = arith.maximumf %sub3A, %max3A_39 : vector<128x1384xf32>
    %min3A_41 = vector.broadcast %get3A_30 : vector<1x1384xf32> to vector<128x1384xf32>
    %min3A_42 = vector.broadcast %get3A_18 : vector<128x1xf32> to vector<128x1384xf32>
    %min3A_43 = arith.minimumf %min3A_41, %min3A_42 : vector<128x1384xf32>
    %max3A_44 = vector.broadcast %get3A_24 : vector<1x1384xf32> to vector<128x1384xf32>
    %max3A_45 = vector.broadcast %get3A_8 : vector<128x1xf32> to vector<128x1384xf32>
    %max3A_46 = arith.maximumf %max3A_44, %max3A_45 : vector<128x1384xf32>
    %sub3A_47 = arith.subf %min3A_43, %max3A_46 : vector<128x1384xf32>
    %max3A_48 = arith.constant 0.000000e+00 : f32
    %max3A_49 = vector.broadcast %max3A_48 : f32 to vector<128x1384xf32>
    %max3A_50 = arith.maximumf %sub3A_47, %max3A_49 : vector<128x1384xf32>
    %mul3A = arith.mulf %max3A_40, %max3A_50 : vector<128x1384xf32>
    %sub3A_51 = arith.subf %get3A_13, %get3A_3 : vector<128x1xf32>
    %sub3A_52 = arith.subf %get3A_18, %get3A_8 : vector<128x1xf32>
    %mul3A_53 = arith.mulf %sub3A_51, %sub3A_52 : vector<128x1xf32>
    %add3A = vector.broadcast %get3A_33 : vector<1x1384xf32> to vector<128x1384xf32>
    %add3A_54 = vector.broadcast %mul3A_53 : vector<128x1xf32> to vector<128x1384xf32>
    %add3A_55 = arith.addf %add3A, %add3A_54 : vector<128x1384xf32>
    %sub3A_56 = arith.subf %add3A_55, %mul3A : vector<128x1384xf32>
    %add3A_57 = arith.constant 9.99999974E-5 : f32
    %add3A_58 = vector.broadcast %add3A_57 : f32 to vector<128x1384xf32>
    %add3A_59 = arith.addf %sub3A_56, %add3A_58 : vector<128x1384xf32>
    %div3A = arith.divf %mul3A, %add3A_59 : vector<128x1384xf32>
    %mul3A_60 = arith.constant 1.000000e+04 : f32
    %mul3A_61 = vector.broadcast %mul3A_60 : f32 to vector<128x1384xf32>
    %mul3A_62 = arith.mulf %div3A, %mul3A_61 : vector<128x1384xf32>
    %round3A = math.roundeven %mul3A_62 : vector<128x1384xf32>
    %mul3A_63 = arith.constant 1.280000e+02 : f32
    %mul3A_64 = vector.broadcast %mul3A_63 : f32 to vector<128x1384xf32>
    %mul3A_65 = arith.mulf %round3A, %mul3A_64 : vector<128x1384xf32>
    %get3A_66 = arith.constant 0 : index
    %get3A_67 = arith.constant 0 : index
    %get3A_68 = vector.load %arg3[%get3A_66, %get3A_67] : memref<128x1384xf32, #tpu.memory_space<vmem>>, vector<128x1384xf32>
    %add3A_69 = arith.addf %mul3A_65, %get3A_68 : vector<128x1384xf32>
    %reduce_max3A = arith.constant dense<0xFF800000> : vector<1384xf32>
    %reduce_max3A_70 = vector.multi_reduction <maximumf>, %add3A_69, %reduce_max3A [0] : vector<128x1384xf32> to vector<1384xf32>
    %broadcast_in_dim3A = vector.shape_cast %reduce_max3A_70 : vector<1384xf32> to vector<1x1384xf32>
    %reduce_max3A_71 = arith.constant dense<0xFF800000> : vector<128xf32>
    %reduce_max3A_72 = vector.multi_reduction <maximumf>, %round3A, %reduce_max3A_71 [1] : vector<128x1384xf32> to vector<128xf32>
    %broadcast_in_dim3A_73 = vector.shape_cast %reduce_max3A_72 : vector<128xf32> to vector<128x1xf32>
    %gt3A = arith.constant 1.000000e+02 : f32
    %gt3A_74 = vector.broadcast %gt3A : f32 to vector<128x1xf32>
    %gt3A_75 = arith.cmpf ogt, %broadcast_in_dim3A_73, %gt3A_74 : vector<128x1xf32>
    %jit3A = arith.constant -1.000000e+00 : f32
    %broadcast_in_dim3A_76 = vector.broadcast %jit3A : f32 to vector<128x1xf32>
    %select_n3A = arith.select %gt3A_75, %broadcast_in_dim3A_73, %broadcast_in_dim3A_76 : vector<128x1xi1>, vector<128x1xf32>
    %eq3A = vector.broadcast %select_n3A : vector<128x1xf32> to vector<128x1384xf32>
    %eq3A_77 = arith.cmpf oeq, %round3A, %eq3A : vector<128x1384xf32>
    %reduce_or3A = arith.constant 1.000000e+00 : f32
    %reduce_or3A_78 = arith.constant 0.000000e+00 : f32
    %reduce_or3A_79 = vector.broadcast %reduce_or3A : f32 to vector<128x1384xf32>
    %reduce_or3A_80 = vector.broadcast %reduce_or3A_78 : f32 to vector<128x1384xf32>
    %reduce_or3A_81 = arith.select %eq3A_77, %reduce_or3A_79, %reduce_or3A_80 : vector<128x1384xi1>, vector<128x1384xf32>
    %reduce_or3A_82 = arith.constant dense<0xFF800000> : vector<1384xf32>
    %reduce_or3A_83 = vector.multi_reduction <maximumf>, %reduce_or3A_81, %reduce_or3A_82 [0] : vector<128x1384xf32> to vector<1384xf32>
    %reduce_or3A_84 = arith.constant 0.000000e+00 : f32
    %reduce_or3A_85 = vector.broadcast %reduce_or3A_84 : f32 to vector<1384xf32>
    %reduce_or3A_86 = arith.cmpf ogt, %reduce_or3A_83, %reduce_or3A_85 : vector<1384xf32>
    %broadcast_in_dim3A_87 = vector.shape_cast %reduce_or3A_86 : vector<1384xi1> to vector<1x1384xi1>
    %ge3A = arith.constant 6.400000e+05 : f32
    %ge3A_88 = vector.broadcast %ge3A : f32 to vector<1x1384xf32>
    %ge3A_89 = arith.cmpf oge, %broadcast_in_dim3A, %ge3A_88 : vector<1x1384xf32>
    %or3A = arith.ori %ge3A_89, %broadcast_in_dim3A_87 : vector<1x1384xi1>
    %lt3A = arith.constant 3.840000e+05 : f32
    %lt3A_90 = vector.broadcast %lt3A : f32 to vector<1x1384xf32>
    %lt3A_91 = arith.cmpf olt, %broadcast_in_dim3A, %lt3A_90 : vector<1x1384xf32>
    %not3A = arith.constant dense<true> : vector<1x1384xi1>
    %not3A_92 = arith.xori %or3A, %not3A : vector<1x1384xi1>
    %and3A = arith.andi %lt3A_91, %not3A_92 : vector<1x1384xi1>
    %jit3A_93 = arith.constant 0.000000e+00 : f32
    %jit3A_94 = arith.constant -1.000000e+00 : f32
    %broadcast_in_dim3A_95 = vector.broadcast %jit3A_93 : f32 to vector<1x1384xf32>
    %broadcast_in_dim3A_96 = vector.broadcast %jit3A_94 : f32 to vector<1x1384xf32>
    %select_n3A_97 = arith.select %and3A, %broadcast_in_dim3A_95, %broadcast_in_dim3A_96 : vector<1x1384xi1>, vector<1x1384xf32>
    %jit3A_98 = arith.constant 1.000000e+00 : f32
    %broadcast_in_dim3A_99 = vector.broadcast %jit3A_98 : f32 to vector<1x1384xf32>
    %select_n3A_100 = arith.select %or3A, %broadcast_in_dim3A_99, %select_n3A_97 : vector<1x1384xi1>, vector<1x1384xf32>
    %swap3A = arith.constant 0 : index
    %swap3A_101 = arith.constant 0 : index
    %swap3A_102 = arith.constant 0 : index
    %swap3A_103 = vector.load %arg5[%swap3A, %swap3A_101, %swap3A_102] : memref<8x1x1384xf32, #tpu.memory_space<vmem>>, vector<1x1x1384xf32>
    %swap3A_104 = vector.shape_cast %swap3A_103 : vector<1x1x1384xf32> to vector<1x1384xf32>
    %swap3A_105 = vector.shape_cast %select_n3A_100 : vector<1x1384xf32> to vector<1x1x1384xf32>
    tpu.vector_store %arg5[%swap3A, %swap3A_101, %swap3A_102], %swap3A_105 {strides = array<i32>} : memref<8x1x1384xf32, #tpu.memory_space<vmem>>, vector<1x1x1384xf32>,
    %convert_element_type3A = arith.fptosi %broadcast_in_dim3A : vector<1x1384xf32> to vector<1x1384xi32>
    %mul3A_106 = arith.constant 8 : i32
    %mul3A_107 = arith.muli %arg0, %mul3A_106 : i32
    %add3A_108 = arith.constant 0 : i32
    %add3A_109 = arith.addi %mul3A_107, %add3A_108 : i32
    %and3A_110 = arith.constant 127 : i32
    %and3A_111 = vector.broadcast %and3A_110 : i32 to vector<1x1384xi32>
    %and3A_112 = arith.andi %convert_element_type3A, %and3A_111 : vector<1x1384xi32>
    %sub3A_113 = arith.constant 127 : i32
    %sub3A_114 = vector.broadcast %sub3A_113 : i32 to vector<1x1384xi32>
    %sub3A_115 = arith.subi %sub3A_114, %and3A_112 : vector<1x1384xi32>
    %mul3A_116 = arith.constant 128 : i32
    %mul3A_117 = arith.muli %add3A_109, %mul3A_116 : i32
    %add3A_118 = vector.broadcast %mul3A_117 : i32 to vector<1x1384xi32>
    %add3A_119 = arith.addi %sub3A_115, %add3A_118 : vector<1x1384xi32>
    %swap3A_120 = arith.constant 0 : index
    %swap3A_121 = arith.constant 0 : index
    %swap3A_122 = arith.constant 0 : index
    %swap3A_123 = vector.load %arg4[%swap3A_120, %swap3A_121, %swap3A_122] : memref<8x1x1384xi32, #tpu.memory_space<vmem>>, vector<1x1x1384xi32>
    %swap3A_124 = vector.shape_cast %swap3A_123 : vector<1x1x1384xi32> to vector<1x1384xi32>
    %swap3A_125 = vector.shape_cast %add3A_119 : vector<1x1384xi32> to vector<1x1x1384xi32>
    tpu.vector_store %arg4[%swap3A_120, %swap3A_121, %swap3A_122], %swap3A_125 {strides = array<i32>} : memref<8x1x1384xi32, #tpu.memory_space<vmem>>, vector<1x1x1384xi32>,
    %get3A_126 = arith.constant 1 : index
    %get3A_127 = arith.constant 0 : index
    %get3A_128 = arith.constant 0 : index
    %get3A_129 = vector.load %arg1[%get3A_126, %get3A_127, %get3A_128] : memref<8x128x4xf32, #tpu.memory_space<vmem>>, vector<1x128x1xf32>
    %get3A_130 = vector.shape_cast %get3A_129 : vector<1x128x1xf32> to vector<128x1xf32>
    %get3A_131 = arith.constant 1 : index
    %get3A_132 = arith.constant 0 : index
    %get3A_133 = arith.constant 1 : index
    %get3A_134 = vector.load %arg1[%get3A_131, %get3A_132, %get3A_133] : memref<8x128x4xf32, #tpu.memory_space<vmem>>, vector<1x128x1xf32>
    %get3A_135 = vector.shape_cast %get3A_134 : vector<1x128x1xf32> to vector<128x1xf32>
    %get3A_136 = arith.constant 1 : index
    %get3A_137 = arith.constant 0 : index
    %get3A_138 = arith.constant 2 : index
    %get3A_139 = vector.load %arg1[%get3A_136, %get3A_137, %get3A_138] : memref<8x128x4xf32, #tpu.memory_space<vmem>>, vector<1x128x1xf32>
    %get3A_140 = vector.shape_cast %get3A_139 : vector<1x128x1xf32> to vector<128x1xf32>
    %get3A_141 = arith.constant 1 : index
    %get3A_142 = arith.constant 0 : index
    %get3A_143 = arith.constant 3 : index
    %get3A_144 = vector.load %arg1[%get3A_141, %get3A_142, %get3A_143] : memref<8x128x4xf32, #tpu.memory_space<vmem>>, vector<1x128x1xf32>
    %get3A_145 = vector.shape_cast %get3A_144 : vector<1x128x1xf32> to vector<128x1xf32>
    %get3A_146 = arith.constant 0 : index
    %get3A_147 = arith.constant 0 : index
    %get3A_148 = vector.load %arg2[%get3A_146, %get3A_147] : memref<5x1384xf32, #tpu.memory_space<vmem>>, vector<1x1384xf32>
    %get3A_149 = arith.constant 1 : index
    %get3A_150 = arith.constant 0 : index
    %get3A_151 = vector.load %arg2[%get3A_149, %get3A_150] : memref<5x1384xf32, #tpu.memory_space<vmem>>, vector<1x1384xf32>
    %get3A_152 = arith.constant 2 : index
    %get3A_153 = arith.constant 0 : index
    %get3A_154 = vector.load %arg2[%get3A_152, %get3A_153] : memref<5x1384xf32, #tpu.memory_space<vmem>>, vector<1x1384xf32>
    %get3A_155 = arith.constant 3 : index
    %get3A_156 = arith.constant 0 : index
    %get3A_157 = vector.load %arg2[%get3A_155, %get3A_156] : memref<5x1384xf32, #tpu.memory_space<vmem>>, vector<1x1384xf32>
    %get3A_158 = arith.constant 4 : index
    %get3A_159 = arith.constant 0 : index
    %get3A_160 = vector.load %arg2[%get3A_158, %get3A_159] : memref<5x1384xf32, #tpu.memory_space<vmem>>, vector<1x1384xf32>
    %min3A_161 = vector.broadcast %get3A_154 : vector<1x1384xf32> to vector<128x1384xf32>
    %min3A_162 = vector.broadcast %get3A_140 : vector<128x1xf32> to vector<128x1384xf32>
    %min3A_163 = arith.minimumf %min3A_161, %min3A_162 : vector<128x1384xf32>
    %max3A_164 = vector.broadcast %get3A_148 : vector<1x1384xf32> to vector<128x1384xf32>
    %max3A_165 = vector.broadcast %get3A_130 : vector<128x1xf32> to vector<128x1384xf32>
    %max3A_166 = arith.maximumf %max3A_164, %max3A_165 : vector<128x1384xf32>
    %sub3A_167 = arith.subf %min3A_163, %max3A_166 : vector<128x1384xf32>
    %max3A_168 = arith.constant 0.000000e+00 : f32
    %max3A_169 = vector.broadcast %max3A_168 : f32 to vector<128x1384xf32>
    %max3A_170 = arith.maximumf %sub3A_167, %max3A_169 : vector<128x1384xf32>
    %min3A_171 = vector.broadcast %get3A_157 : vector<1x1384xf32> to vector<128x1384xf32>
    %min3A_172 = vector.broadcast %get3A_145 : vector<128x1xf32> to vector<128x1384xf32>
    %min3A_173 = arith.minimumf %min3A_171, %min3A_172 : vector<128x1384xf32>
    %max3A_174 = vector.broadcast %get3A_151 : vector<1x1384xf32> to vector<128x1384xf32>
    %max3A_175 = vector.broadcast %get3A_135 : vector<128x1xf32> to vector<128x1384xf32>
    %max3A_176 = arith.maximumf %max3A_174, %max3A_175 : vector<128x1384xf32>
    %sub3A_177 = arith.subf %min3A_173, %max3A_176 : vector<128x1384xf32>
    %max3A_178 = arith.constant 0.000000e+00 : f32
    %max3A_179 = vector.broadcast %max3A_178 : f32 to vector<128x1384xf32>
    %max3A_180 = arith.maximumf %sub3A_177, %max3A_179 : vector<128x1384xf32>
    %mul3A_181 = arith.mulf %max3A_170, %max3A_180 : vector<128x1384xf32>
    %sub3A_182 = arith.subf %get3A_140, %get3A_130 : vector<128x1xf32>
    %sub3A_183 = arith.subf %get3A_145, %get3A_135 : vector<128x1xf32>
    %mul3A_184 = arith.mulf %sub3A_182, %sub3A_183 : vector<128x1xf32>
    %add3A_185 = vector.broadcast %get3A_160 : vector<1x1384xf32> to vector<128x1384xf32>
    %add3A_186 = vector.broadcast %mul3A_184 : vector<128x1xf32> to vector<128x1384xf32>
    %add3A_187 = arith.addf %add3A_185, %add3A_186 : vector<128x1384xf32>
    %sub3A_188 = arith.subf %add3A_187, %mul3A_181 : vector<128x1384xf32>
    %add3A_189 = arith.constant 9.99999974E-5 : f32
    %add3A_190 = vector.broadcast %add3A_189 : f32 to vector<128x1384xf32>
    %add3A_191 = arith.addf %sub3A_188, %add3A_190 : vector<128x1384xf32>
    %div3A_192 = arith.divf %mul3A_181, %add3A_191 : vector<128x1384xf32>
    %mul3A_193 = arith.constant 1.000000e+04 : f32
    %mul3A_194 = vector.broadcast %mul3A_193 : f32 to vector<128x1384xf32>
    %mul3A_195 = arith.mulf %div3A_192, %mul3A_194 : vector<128x1384xf32>
    %round3A_196 = math.roundeven %mul3A_195 : vector<128x1384xf32>
    %mul3A_197 = arith.constant 1.280000e+02 : f32
    %mul3A_198 = vector.broadcast %mul3A_197 : f32 to vector<128x1384xf32>
    %mul3A_199 = arith.mulf %round3A_196, %mul3A_198 : vector<128x1384xf32>
    %get3A_200 = arith.constant 0 : index
    %get3A_201 = arith.constant 0 : index
    %get3A_202 = vector.load %arg3[%get3A_200, %get3A_201] : memref<128x1384xf32, #tpu.memory_space<vmem>>, vector<128x1384xf32>
    %add3A_203 = arith.addf %mul3A_199, %get3A_202 : vector<128x1384xf32>
    %reduce_max3A_204 = arith.constant dense<0xFF800000> : vector<1384xf32>
    %reduce_max3A_205 = vector.multi_reduction <maximumf>, %add3A_203, %reduce_max3A_204 [0] : vector<128x1384xf32> to vector<1384xf32>
    %broadcast_in_dim3A_206 = vector.shape_cast %reduce_max3A_205 : vector<1384xf32> to vector<1x1384xf32>
    %reduce_max3A_207 = arith.constant dense<0xFF800000> : vector<128xf32>
    %reduce_max3A_208 = vector.multi_reduction <maximumf>, %round3A_196, %reduce_max3A_207 [1] : vector<128x1384xf32> to vector<128xf32>
    %broadcast_in_dim3A_209 = vector.shape_cast %reduce_max3A_208 : vector<128xf32> to vector<128x1xf32>
    %gt3A_210 = arith.constant 1.000000e+02 : f32
    %gt3A_211 = vector.broadcast %gt3A_210 : f32 to vector<128x1xf32>
    %gt3A_212 = arith.cmpf ogt, %broadcast_in_dim3A_209, %gt3A_211 : vector<128x1xf32>
    %jit3A_213 = arith.constant -1.000000e+00 : f32
    %broadcast_in_dim3A_214 = vector.broadcast %jit3A_213 : f32 to vector<128x1xf32>
    %select_n3A_215 = arith.select %gt3A_212, %broadcast_in_dim3A_209, %broadcast_in_dim3A_214 : vector<128x1xi1>, vector<128x1xf32>
    %eq3A_216 = vector.broadcast %select_n3A_215 : vector<128x1xf32> to vector<128x1384xf32>
    %eq3A_217 = arith.cmpf oeq, %round3A_196, %eq3A_216 : vector<128x1384xf32>
    %reduce_or3A_218 = arith.constant 1.000000e+00 : f32
    %reduce_or3A_219 = arith.constant 0.000000e+00 : f32
    %reduce_or3A_220 = vector.broadcast %reduce_or3A_218 : f32 to vector<128x1384xf32>
    %reduce_or3A_221 = vector.broadcast %reduce_or3A_219 : f32 to vector<128x1384xf32>
    %reduce_or3A_222 = arith.select %eq3A_217, %reduce_or3A_220, %reduce_or3A_221 : vector<128x1384xi1>, vector<128x1384xf32>
    %reduce_or3A_223 = arith.constant dense<0xFF800000> : vector<1384xf32>
    %reduce_or3A_224 = vector.multi_reduction <maximumf>, %reduce_or3A_222, %reduce_or3A_223 [0] : vector<128x1384xf32> to vector<1384xf32>
    %reduce_or3A_225 = arith.constant 0.000000e+00 : f32
    %reduce_or3A_226 = vector.broadcast %reduce_or3A_225 : f32 to vector<1384xf32>
    %reduce_or3A_227 = arith.cmpf ogt, %reduce_or3A_224, %reduce_or3A_226 : vector<1384xf32>
    %broadcast_in_dim3A_228 = vector.shape_cast %reduce_or3A_227 : vector<1384xi1> to vector<1x1384xi1>
    %ge3A_229 = arith.constant 6.400000e+05 : f32
    %ge3A_230 = vector.broadcast %ge3A_229 : f32 to vector<1x1384xf32>
    %ge3A_231 = arith.cmpf oge, %broadcast_in_dim3A_206, %ge3A_230 : vector<1x1384xf32>
    %or3A_232 = arith.ori %ge3A_231, %broadcast_in_dim3A_228 : vector<1x1384xi1>
    %lt3A_233 = arith.constant 3.840000e+05 : f32
    %lt3A_234 = vector.broadcast %lt3A_233 : f32 to vector<1x1384xf32>
    %lt3A_235 = arith.cmpf olt, %broadcast_in_dim3A_206, %lt3A_234 : vector<1x1384xf32>
    %not3A_236 = arith.constant dense<true> : vector<1x1384xi1>
    %not3A_237 = arith.xori %or3A_232, %not3A_236 : vector<1x1384xi1>
    %and3A_238 = arith.andi %lt3A_235, %not3A_237 : vector<1x1384xi1>
    %jit3A_239 = arith.constant 0.000000e+00 : f32
    %jit3A_240 = arith.constant -1.000000e+00 : f32
    %broadcast_in_dim3A_241 = vector.broadcast %jit3A_239 : f32 to vector<1x1384xf32>
    %broadcast_in_dim3A_242 = vector.broadcast %jit3A_240 : f32 to vector<1x1384xf32>
    %select_n3A_243 = arith.select %and3A_238, %broadcast_in_dim3A_241, %broadcast_in_dim3A_242 : vector<1x1384xi1>, vector<1x1384xf32>
    %jit3A_244 = arith.constant 1.000000e+00 : f32
    %broadcast_in_dim3A_245 = vector.broadcast %jit3A_244 : f32 to vector<1x1384xf32>
    %select_n3A_246 = arith.select %or3A_232, %broadcast_in_dim3A_245, %select_n3A_243 : vector<1x1384xi1>, vector<1x1384xf32>
    %swap3A_247 = arith.constant 1 : index
    %swap3A_248 = arith.constant 0 : index
    %swap3A_249 = arith.constant 0 : index
    %swap3A_250 = vector.load %arg5[%swap3A_247, %swap3A_248, %swap3A_249] : memref<8x1x1384xf32, #tpu.memory_space<vmem>>, vector<1x1x1384xf32>
    %swap3A_251 = vector.shape_cast %swap3A_250 : vector<1x1x1384xf32> to vector<1x1384xf32>
    %swap3A_252 = vector.shape_cast %select_n3A_246 : vector<1x1384xf32> to vector<1x1x1384xf32>
    tpu.vector_store %arg5[%swap3A_247, %swap3A_248, %swap3A_249], %swap3A_252 {strides = array<i32>} : memref<8x1x1384xf32, #tpu.memory_space<vmem>>, vector<1x1x1384xf32>,
    %convert_element_type3A_253 = arith.fptosi %broadcast_in_dim3A_206 : vector<1x1384xf32> to vector<1x1384xi32>
    %mul3A_254 = arith.constant 8 : i32
    %mul3A_255 = arith.muli %arg0, %mul3A_254 : i32
    %add3A_256 = arith.constant 1 : i32
    %add3A_257 = arith.addi %mul3A_255, %add3A_256 : i32
    %and3A_258 = arith.constant 127 : i32
    %and3A_259 = vector.broadcast %and3A_258 : i32 to vector<1x1384xi32>
    %and3A_260 = arith.andi %convert_element_type3A_253, %and3A_259 : vector<1x1384xi32>
    %sub3A_261 = arith.constant 127 : i32
    %sub3A_262 = vector.broadcast %sub3A_261 : i32 to vector<1x1384xi32>
    %sub3A_263 = arith.subi %sub3A_262, %and3A_260 : vector<1x1384xi32>
    %mul3A_264 = arith.constant 128 : i32
    %mul3A_265 = arith.muli %add3A_257, %mul3A_264 : i32
    %add3A_266 = vector.broadcast %mul3A_265 : i32 to vector<1x1384xi32>
    %add3A_267 = arith.addi %sub3A_263, %add3A_266 : vector<1x1384xi32>
    %swap3A_268 = arith.constant 1 : index
    %swap3A_269 = arith.constant 0 : index
    %swap3A_270 = arith.constant 0 : index
    %swap3A_271 = vector.load %arg4[%swap3A_268, %swap3A_269, %swap3A_270] : memref<8x1x1384xi32, #tpu.memory_space<vmem>>, vector<1x1x1384xi32>
    %swap3A_272 = vector.shape_cast %swap3A_271 : vector<1x1x1384xi32> to vector<1x1384xi32>
    %swap3A_273 = vector.shape_cast %add3A_267 : vector<1x1384xi32> to vector<1x1x1384xi32>
    tpu.vector_store %arg4[%swap3A_268, %swap3A_269, %swap3A_270], %swap3A_273 {strides = array<i32>} : memref<8x1x1384xi32, #tpu.memory_space<vmem>>, vector<1x1x1384xi32>,
    %get3A_274 = arith.constant 2 : index
    %get3A_275 = arith.constant 0 : index
    %get3A_276 = arith.constant 0 : index
    %get3A_277 = vector.load %arg1[%get3A_274, %get3A_275, %get3A_276] : memref<8x128x4xf32, #tpu.memory_space<vmem>>, vector<1x128x1xf32>
    %get3A_278 = vector.shape_cast %get3A_277 : vector<1x128x1xf32> to vector<128x1xf32>
    %get3A_279 = arith.constant 2 : index
    %get3A_280 = arith.constant 0 : index
    %get3A_281 = arith.constant 1 : index
    %get3A_282 = vector.load %arg1[%get3A_279, %get3A_280, %get3A_281] : memref<8x128x4xf32, #tpu.memory_space<vmem>>, vector<1x128x1xf32>
    %get3A_283 = vector.shape_cast %get3A_282 : vector<1x128x1xf32> to vector<128x1xf32>
    %get3A_284 = arith.constant 2 : index
    %get3A_285 = arith.constant 0 : index
    %get3A_286 = arith.constant 2 : index
    %get3A_287 = vector.load %arg1[%get3A_284, %get3A_285, %get3A_286] : memref<8x128x4xf32, #tpu.memory_space<vmem>>, vector<1x128x1xf32>
    %get3A_288 = vector.shape_cast %get3A_287 : vector<1x128x1xf32> to vector<128x1xf32>
    %get3A_289 = arith.constant 2 : index
    %get3A_290 = arith.constant 0 : index
    %get3A_291 = arith.constant 3 : index
    %get3A_292 = vector.load %arg1[%get3A_289, %get3A_290, %get3A_291] : memref<8x128x4xf32, #tpu.memory_space<vmem>>, vector<1x128x1xf32>
    %get3A_293 = vector.shape_cast %get3A_292 : vector<1x128x1xf32> to vector<128x1xf32>
    %get3A_294 = arith.constant 0 : index
    %get3A_295 = arith.constant 0 : index
    %get3A_296 = vector.load %arg2[%get3A_294, %get3A_295] : memref<5x1384xf32, #tpu.memory_space<vmem>>, vector<1x1384xf32>
    %get3A_297 = arith.constant 1 : index
    %get3A_298 = arith.constant 0 : index
    %get3A_299 = vector.load %arg2[%get3A_297, %get3A_298] : memref<5x1384xf32, #tpu.memory_space<vmem>>, vector<1x1384xf32>
    %get3A_300 = arith.constant 2 : index
    %get3A_301 = arith.constant 0 : index
    %get3A_302 = vector.load %arg2[%get3A_300, %get3A_301] : memref<5x1384xf32, #tpu.memory_space<vmem>>, vector<1x1384xf32>
    %get3A_303 = arith.constant 3 : index
    %get3A_304 = arith.constant 0 : index
    %get3A_305 = vector.load %arg2[%get3A_303, %get3A_304] : memref<5x1384xf32, #tpu.memory_space<vmem>>, vector<1x1384xf32>
    %get3A_306 = arith.constant 4 : index
    %get3A_307 = arith.constant 0 : index
    %get3A_308 = vector.load %arg2[%get3A_306, %get3A_307] : memref<5x1384xf32, #tpu.memory_space<vmem>>, vector<1x1384xf32>
    %min3A_309 = vector.broadcast %get3A_302 : vector<1x1384xf32> to vector<128x1384xf32>
    %min3A_310 = vector.broadcast %get3A_288 : vector<128x1xf32> to vector<128x1384xf32>
    %min3A_311 = arith.minimumf %min3A_309, %min3A_310 : vector<128x1384xf32>
    %max3A_312 = vector.broadcast %get3A_296 : vector<1x1384xf32> to vector<128x1384xf32>
    %max3A_313 = vector.broadcast %get3A_278 : vector<128x1xf32> to vector<128x1384xf32>
    %max3A_314 = arith.maximumf %max3A_312, %max3A_313 : vector<128x1384xf32>
    %sub3A_315 = arith.subf %min3A_311, %max3A_314 : vector<128x1384xf32>
    %max3A_316 = arith.constant 0.000000e+00 : f32
    %max3A_317 = vector.broadcast %max3A_316 : f32 to vector<128x1384xf32>
    %max3A_318 = arith.maximumf %sub3A_315, %max3A_317 : vector<128x1384xf32>
    %min3A_319 = vector.broadcast %get3A_305 : vector<1x1384xf32> to vector<128x1384xf32>
    %min3A_320 = vector.broadcast %get3A_293 : vector<128x1xf32> to vector<128x1384xf32>
    %min3A_321 = arith.minimumf %min3A_319, %min3A_320 : vector<128x1384xf32>
    %max3A_322 = vector.broadcast %get3A_299 : vector<1x1384xf32> to vector<128x1384xf32>
    %max3A_323 = vector.broadcast %get3A_283 : vector<128x1xf32> to vector<128x1384xf32>
    %max3A_324 = arith.maximumf %max3A_322, %max3A_323 : vector<128x1384xf32>
    %sub3A_325 = arith.subf %min3A_321, %max3A_324 : vector<128x1384xf32>
    %max3A_326 = arith.constant 0.000000e+00 : f32
    %max3A_327 = vector.broadcast %max3A_326 : f32 to vector<128x1384xf32>
    %max3A_328 = arith.maximumf %sub3A_325, %max3A_327 : vector<128x1384xf32>
    %mul3A_329 = arith.mulf %max3A_318, %max3A_328 : vector<128x1384xf32>
    %sub3A_330 = arith.subf %get3A_288, %get3A_278 : vector<128x1xf32>
    %sub3A_331 = arith.subf %get3A_293, %get3A_283 : vector<128x1xf32>
    %mul3A_332 = arith.mulf %sub3A_330, %sub3A_331 : vector<128x1xf32>
    %add3A_333 = vector.broadcast %get3A_308 : vector<1x1384xf32> to vector<128x1384xf32>
    %add3A_334 = vector.broadcast %mul3A_332 : vector<128x1xf32> to vector<128x1384xf32>
    %add3A_335 = arith.addf %add3A_333, %add3A_334 : vector<128x1384xf32>
    %sub3A_336 = arith.subf %add3A_335, %mul3A_329 : vector<128x1384xf32>
    %add3A_337 = arith.constant 9.99999974E-5 : f32
    %add3A_338 = vector.broadcast %add3A_337 : f32 to vector<128x1384xf32>
    %add3A_339 = arith.addf %sub3A_336, %add3A_338 : vector<128x1384xf32>
    %div3A_340 = arith.divf %mul3A_329, %add3A_339 : vector<128x1384xf32>
    %mul3A_341 = arith.constant 1.000000e+04 : f32
    %mul3A_342 = vector.broadcast %mul3A_341 : f32 to vector<128x1384xf32>
    %mul3A_343 = arith.mulf %div3A_340, %mul3A_342 : vector<128x1384xf32>
    %round3A_344 = math.roundeven %mul3A_343 : vector<128x1384xf32>
    %mul3A_345 = arith.constant 1.280000e+02 : f32
    %mul3A_346 = vector.broadcast %mul3A_345 : f32 to vector<128x1384xf32>
    %mul3A_347 = arith.mulf %round3A_344, %mul3A_346 : vector<128x1384xf32>
    %get3A_348 = arith.constant 0 : index
    %get3A_349 = arith.constant 0 : index
    %get3A_350 = vector.load %arg3[%get3A_348, %get3A_349] : memref<128x1384xf32, #tpu.memory_space<vmem>>, vector<128x1384xf32>
    %add3A_351 = arith.addf %mul3A_347, %get3A_350 : vector<128x1384xf32>
    %reduce_max3A_352 = arith.constant dense<0xFF800000> : vector<1384xf32>
    %reduce_max3A_353 = vector.multi_reduction <maximumf>, %add3A_351, %reduce_max3A_352 [0] : vector<128x1384xf32> to vector<1384xf32>
    %broadcast_in_dim3A_354 = vector.shape_cast %reduce_max3A_353 : vector<1384xf32> to vector<1x1384xf32>
    %reduce_max3A_355 = arith.constant dense<0xFF800000> : vector<128xf32>
    %reduce_max3A_356 = vector.multi_reduction <maximumf>, %round3A_344, %reduce_max3A_355 [1] : vector<128x1384xf32> to vector<128xf32>
    %broadcast_in_dim3A_357 = vector.shape_cast %reduce_max3A_356 : vector<128xf32> to vector<128x1xf32>
    %gt3A_358 = arith.constant 1.000000e+02 : f32
    %gt3A_359 = vector.broadcast %gt3A_358 : f32 to vector<128x1xf32>
    %gt3A_360 = arith.cmpf ogt, %broadcast_in_dim3A_357, %gt3A_359 : vector<128x1xf32>
    %jit3A_361 = arith.constant -1.000000e+00 : f32
    %broadcast_in_dim3A_362 = vector.broadcast %jit3A_361 : f32 to vector<128x1xf32>
    %select_n3A_363 = arith.select %gt3A_360, %broadcast_in_dim3A_357, %broadcast_in_dim3A_362 : vector<128x1xi1>, vector<128x1xf32>
    %eq3A_364 = vector.broadcast %select_n3A_363 : vector<128x1xf32> to vector<128x1384xf32>
    %eq3A_365 = arith.cmpf oeq, %round3A_344, %eq3A_364 : vector<128x1384xf32>
    %reduce_or3A_366 = arith.constant 1.000000e+00 : f32
    %reduce_or3A_367 = arith.constant 0.000000e+00 : f32
    %reduce_or3A_368 = vector.broadcast %reduce_or3A_366 : f32 to vector<128x1384xf32>
    %reduce_or3A_369 = vector.broadcast %reduce_or3A_367 : f32 to vector<128x1384xf32>
    %reduce_or3A_370 = arith.select %eq3A_365, %reduce_or3A_368, %reduce_or3A_369 : vector<128x1384xi1>, vector<128x1384xf32>
    %reduce_or3A_371 = arith.constant dense<0xFF800000> : vector<1384xf32>
    %reduce_or3A_372 = vector.multi_reduction <maximumf>, %reduce_or3A_370, %reduce_or3A_371 [0] : vector<128x1384xf32> to vector<1384xf32>
    %reduce_or3A_373 = arith.constant 0.000000e+00 : f32
    %reduce_or3A_374 = vector.broadcast %reduce_or3A_373 : f32 to vector<1384xf32>
    %reduce_or3A_375 = arith.cmpf ogt, %reduce_or3A_372, %reduce_or3A_374 : vector<1384xf32>
    %broadcast_in_dim3A_376 = vector.shape_cast %reduce_or3A_375 : vector<1384xi1> to vector<1x1384xi1>
    %ge3A_377 = arith.constant 6.400000e+05 : f32
    %ge3A_378 = vector.broadcast %ge3A_377 : f32 to vector<1x1384xf32>
    %ge3A_379 = arith.cmpf oge, %broadcast_in_dim3A_354, %ge3A_378 : vector<1x1384xf32>
    %or3A_380 = arith.ori %ge3A_379, %broadcast_in_dim3A_376 : vector<1x1384xi1>
    %lt3A_381 = arith.constant 3.840000e+05 : f32
    %lt3A_382 = vector.broadcast %lt3A_381 : f32 to vector<1x1384xf32>
    %lt3A_383 = arith.cmpf olt, %broadcast_in_dim3A_354, %lt3A_382 : vector<1x1384xf32>
    %not3A_384 = arith.constant dense<true> : vector<1x1384xi1>
    %not3A_385 = arith.xori %or3A_380, %not3A_384 : vector<1x1384xi1>
    %and3A_386 = arith.andi %lt3A_383, %not3A_385 : vector<1x1384xi1>
    %jit3A_387 = arith.constant 0.000000e+00 : f32
    %jit3A_388 = arith.constant -1.000000e+00 : f32
    %broadcast_in_dim3A_389 = vector.broadcast %jit3A_387 : f32 to vector<1x1384xf32>
    %broadcast_in_dim3A_390 = vector.broadcast %jit3A_388 : f32 to vector<1x1384xf32>
    %select_n3A_391 = arith.select %and3A_386, %broadcast_in_dim3A_389, %broadcast_in_dim3A_390 : vector<1x1384xi1>, vector<1x1384xf32>
    %jit3A_392 = arith.constant 1.000000e+00 : f32
    %broadcast_in_dim3A_393 = vector.broadcast %jit3A_392 : f32 to vector<1x1384xf32>
    %select_n3A_394 = arith.select %or3A_380, %broadcast_in_dim3A_393, %select_n3A_391 : vector<1x1384xi1>, vector<1x1384xf32>
    %swap3A_395 = arith.constant 2 : index
    %swap3A_396 = arith.constant 0 : index
    %swap3A_397 = arith.constant 0 : index
    %swap3A_398 = vector.load %arg5[%swap3A_395, %swap3A_396, %swap3A_397] : memref<8x1x1384xf32, #tpu.memory_space<vmem>>, vector<1x1x1384xf32>
    %swap3A_399 = vector.shape_cast %swap3A_398 : vector<1x1x1384xf32> to vector<1x1384xf32>
    %swap3A_400 = vector.shape_cast %select_n3A_394 : vector<1x1384xf32> to vector<1x1x1384xf32>
    tpu.vector_store %arg5[%swap3A_395, %swap3A_396, %swap3A_397], %swap3A_400 {strides = array<i32>} : memref<8x1x1384xf32, #tpu.memory_space<vmem>>, vector<1x1x1384xf32>,
    %convert_element_type3A_401 = arith.fptosi %broadcast_in_dim3A_354 : vector<1x1384xf32> to vector<1x1384xi32>
    %mul3A_402 = arith.constant 8 : i32
    %mul3A_403 = arith.muli %arg0, %mul3A_402 : i32
    %add3A_404 = arith.constant 2 : i32
    %add3A_405 = arith.addi %mul3A_403, %add3A_404 : i32
    %and3A_406 = arith.constant 127 : i32
    %and3A_407 = vector.broadcast %and3A_406 : i32 to vector<1x1384xi32>
    %and3A_408 = arith.andi %convert_element_type3A_401, %and3A_407 : vector<1x1384xi32>
    %sub3A_409 = arith.constant 127 : i32
    %sub3A_410 = vector.broadcast %sub3A_409 : i32 to vector<1x1384xi32>
    %sub3A_411 = arith.subi %sub3A_410, %and3A_408 : vector<1x1384xi32>
    %mul3A_412 = arith.constant 128 : i32
    %mul3A_413 = arith.muli %add3A_405, %mul3A_412 : i32
    %add3A_414 = vector.broadcast %mul3A_413 : i32 to vector<1x1384xi32>
    %add3A_415 = arith.addi %sub3A_411, %add3A_414 : vector<1x1384xi32>
    %swap3A_416 = arith.constant 2 : index
    %swap3A_417 = arith.constant 0 : index
    %swap3A_418 = arith.constant 0 : index
    %swap3A_419 = vector.load %arg4[%swap3A_416, %swap3A_417, %swap3A_418] : memref<8x1x1384xi32, #tpu.memory_space<vmem>>, vector<1x1x1384xi32>
    %swap3A_420 = vector.shape_cast %swap3A_419 : vector<1x1x1384xi32> to vector<1x1384xi32>
    %swap3A_421 = vector.shape_cast %add3A_415 : vector<1x1384xi32> to vector<1x1x1384xi32>
    tpu.vector_store %arg4[%swap3A_416, %swap3A_417, %swap3A_418], %swap3A_421 {strides = array<i32>} : memref<8x1x1384xi32, #tpu.memory_space<vmem>>, vector<1x1x1384xi32>,
    %get3A_422 = arith.constant 3 : index
    %get3A_423 = arith.constant 0 : index
    %get3A_424 = arith.constant 0 : index
    %get3A_425 = vector.load %arg1[%get3A_422, %get3A_423, %get3A_424] : memref<8x128x4xf32, #tpu.memory_space<vmem>>, vector<1x128x1xf32>
    %get3A_426 = vector.shape_cast %get3A_425 : vector<1x128x1xf32> to vector<128x1xf32>
    %get3A_427 = arith.constant 3 : index
    %get3A_428 = arith.constant 0 : index
    %get3A_429 = arith.constant 1 : index
    %get3A_430 = vector.load %arg1[%get3A_427, %get3A_428, %get3A_429] : memref<8x128x4xf32, #tpu.memory_space<vmem>>, vector<1x128x1xf32>
    %get3A_431 = vector.shape_cast %get3A_430 : vector<1x128x1xf32> to vector<128x1xf32>
    %get3A_432 = arith.constant 3 : index
    %get3A_433 = arith.constant 0 : index
    %get3A_434 = arith.constant 2 : index
    %get3A_435 = vector.load %arg1[%get3A_432, %get3A_433, %get3A_434] : memref<8x128x4xf32, #tpu.memory_space<vmem>>, vector<1x128x1xf32>
    %get3A_436 = vector.shape_cast %get3A_435 : vector<1x128x1xf32> to vector<128x1xf32>
    %get3A_437 = arith.constant 3 : index
    %get3A_438 = arith.constant 0 : index
    %get3A_439 = arith.constant 3 : index
    %get3A_440 = vector.load %arg1[%get3A_437, %get3A_438, %get3A_439] : memref<8x128x4xf32, #tpu.memory_space<vmem>>, vector<1x128x1xf32>
    %get3A_441 = vector.shape_cast %get3A_440 : vector<1x128x1xf32> to vector<128x1xf32>
    %get3A_442 = arith.constant 0 : index
    %get3A_443 = arith.constant 0 : index
    %get3A_444 = vector.load %arg2[%get3A_442, %get3A_443] : memref<5x1384xf32, #tpu.memory_space<vmem>>, vector<1x1384xf32>
    %get3A_445 = arith.constant 1 : index
    %get3A_446 = arith.constant 0 : index
    %get3A_447 = vector.load %arg2[%get3A_445, %get3A_446] : memref<5x1384xf32, #tpu.memory_space<vmem>>, vector<1x1384xf32>
    %get3A_448 = arith.constant 2 : index
    %get3A_449 = arith.constant 0 : index
    %get3A_450 = vector.load %arg2[%get3A_448, %get3A_449] : memref<5x1384xf32, #tpu.memory_space<vmem>>, vector<1x1384xf32>
    %get3A_451 = arith.constant 3 : index
    %get3A_452 = arith.constant 0 : index
    %get3A_453 = vector.load %arg2[%get3A_451, %get3A_452] : memref<5x1384xf32, #tpu.memory_space<vmem>>, vector<1x1384xf32>
    %get3A_454 = arith.constant 4 : index
    %get3A_455 = arith.constant 0 : index
    %get3A_456 = vector.load %arg2[%get3A_454, %get3A_455] : memref<5x1384xf32, #tpu.memory_space<vmem>>, vector<1x1384xf32>
    %min3A_457 = vector.broadcast %get3A_450 : vector<1x1384xf32> to vector<128x1384xf32>
    %min3A_458 = vector.broadcast %get3A_436 : vector<128x1xf32> to vector<128x1384xf32>
    %min3A_459 = arith.minimumf %min3A_457, %min3A_458 : vector<128x1384xf32>
    %max3A_460 = vector.broadcast %get3A_444 : vector<1x1384xf32> to vector<128x1384xf32>
    %max3A_461 = vector.broadcast %get3A_426 : vector<128x1xf32> to vector<128x1384xf32>
    %max3A_462 = arith.maximumf %max3A_460, %max3A_461 : vector<128x1384xf32>
    %sub3A_463 = arith.subf %min3A_459, %max3A_462 : vector<128x1384xf32>
    %max3A_464 = arith.constant 0.000000e+00 : f32
    %max3A_465 = vector.broadcast %max3A_464 : f32 to vector<128x1384xf32>
    %max3A_466 = arith.maximumf %sub3A_463, %max3A_465 : vector<128x1384xf32>
    %min3A_467 = vector.broadcast %get3A_453 : vector<1x1384xf32> to vector<128x1384xf32>
    %min3A_468 = vector.broadcast %get3A_441 : vector<128x1xf32> to vector<128x1384xf32>
    %min3A_469 = arith.minimumf %min3A_467, %min3A_468 : vector<128x1384xf32>
    %max3A_470 = vector.broadcast %get3A_447 : vector<1x1384xf32> to vector<128x1384xf32>
    %max3A_471 = vector.broadcast %get3A_431 : vector<128x1xf32> to vector<128x1384xf32>
    %max3A_472 = arith.maximumf %max3A_470, %max3A_471 : vector<128x1384xf32>
    %sub3A_473 = arith.subf %min3A_469, %max3A_472 : vector<128x1384xf32>
    %max3A_474 = arith.constant 0.000000e+00 : f32
    %max3A_475 = vector.broadcast %max3A_474 : f32 to vector<128x1384xf32>
    %max3A_476 = arith.maximumf %sub3A_473, %max3A_475 : vector<128x1384xf32>
    %mul3A_477 = arith.mulf %max3A_466, %max3A_476 : vector<128x1384xf32>
    %sub3A_478 = arith.subf %get3A_436, %get3A_426 : vector<128x1xf32>
    %sub3A_479 = arith.subf %get3A_441, %get3A_431 : vector<128x1xf32>
    %mul3A_480 = arith.mulf %sub3A_478, %sub3A_479 : vector<128x1xf32>
    %add3A_481 = vector.broadcast %get3A_456 : vector<1x1384xf32> to vector<128x1384xf32>
    %add3A_482 = vector.broadcast %mul3A_480 : vector<128x1xf32> to vector<128x1384xf32>
    %add3A_483 = arith.addf %add3A_481, %add3A_482 : vector<128x1384xf32>
    %sub3A_484 = arith.subf %add3A_483, %mul3A_477 : vector<128x1384xf32>
    %add3A_485 = arith.constant 9.99999974E-5 : f32
    %add3A_486 = vector.broadcast %add3A_485 : f32 to vector<128x1384xf32>
    %add3A_487 = arith.addf %sub3A_484, %add3A_486 : vector<128x1384xf32>
    %div3A_488 = arith.divf %mul3A_477, %add3A_487 : vector<128x1384xf32>
    %mul3A_489 = arith.constant 1.000000e+04 : f32
    %mul3A_490 = vector.broadcast %mul3A_489 : f32 to vector<128x1384xf32>
    %mul3A_491 = arith.mulf %div3A_488, %mul3A_490 : vector<128x1384xf32>
    %round3A_492 = math.roundeven %mul3A_491 : vector<128x1384xf32>
    %mul3A_493 = arith.constant 1.280000e+02 : f32
    %mul3A_494 = vector.broadcast %mul3A_493 : f32 to vector<128x1384xf32>
    %mul3A_495 = arith.mulf %round3A_492, %mul3A_494 : vector<128x1384xf32>
    %get3A_496 = arith.constant 0 : index
    %get3A_497 = arith.constant 0 : index
    %get3A_498 = vector.load %arg3[%get3A_496, %get3A_497] : memref<128x1384xf32, #tpu.memory_space<vmem>>, vector<128x1384xf32>
    %add3A_499 = arith.addf %mul3A_495, %get3A_498 : vector<128x1384xf32>
    %reduce_max3A_500 = arith.constant dense<0xFF800000> : vector<1384xf32>
    %reduce_max3A_501 = vector.multi_reduction <maximumf>, %add3A_499, %reduce_max3A_500 [0] : vector<128x1384xf32> to vector<1384xf32>
    %broadcast_in_dim3A_502 = vector.shape_cast %reduce_max3A_501 : vector<1384xf32> to vector<1x1384xf32>
    %reduce_max3A_503 = arith.constant dense<0xFF800000> : vector<128xf32>
    %reduce_max3A_504 = vector.multi_reduction <maximumf>, %round3A_492, %reduce_max3A_503 [1] : vector<128x1384xf32> to vector<128xf32>
    %broadcast_in_dim3A_505 = vector.shape_cast %reduce_max3A_504 : vector<128xf32> to vector<128x1xf32>
    %gt3A_506 = arith.constant 1.000000e+02 : f32
    %gt3A_507 = vector.broadcast %gt3A_506 : f32 to vector<128x1xf32>
    %gt3A_508 = arith.cmpf ogt, %broadcast_in_dim3A_505, %gt3A_507 : vector<128x1xf32>
    %jit3A_509 = arith.constant -1.000000e+00 : f32
    %broadcast_in_dim3A_510 = vector.broadcast %jit3A_509 : f32 to vector<128x1xf32>
    %select_n3A_511 = arith.select %gt3A_508, %broadcast_in_dim3A_505, %broadcast_in_dim3A_510 : vector<128x1xi1>, vector<128x1xf32>
    %eq3A_512 = vector.broadcast %select_n3A_511 : vector<128x1xf32> to vector<128x1384xf32>
    %eq3A_513 = arith.cmpf oeq, %round3A_492, %eq3A_512 : vector<128x1384xf32>
    %reduce_or3A_514 = arith.constant 1.000000e+00 : f32
    %reduce_or3A_515 = arith.constant 0.000000e+00 : f32
    %reduce_or3A_516 = vector.broadcast %reduce_or3A_514 : f32 to vector<128x1384xf32>
    %reduce_or3A_517 = vector.broadcast %reduce_or3A_515 : f32 to vector<128x1384xf32>
    %reduce_or3A_518 = arith.select %eq3A_513, %reduce_or3A_516, %reduce_or3A_517 : vector<128x1384xi1>, vector<128x1384xf32>
    %reduce_or3A_519 = arith.constant dense<0xFF800000> : vector<1384xf32>
    %reduce_or3A_520 = vector.multi_reduction <maximumf>, %reduce_or3A_518, %reduce_or3A_519 [0] : vector<128x1384xf32> to vector<1384xf32>
    %reduce_or3A_521 = arith.constant 0.000000e+00 : f32
    %reduce_or3A_522 = vector.broadcast %reduce_or3A_521 : f32 to vector<1384xf32>
    %reduce_or3A_523 = arith.cmpf ogt, %reduce_or3A_520, %reduce_or3A_522 : vector<1384xf32>
    %broadcast_in_dim3A_524 = vector.shape_cast %reduce_or3A_523 : vector<1384xi1> to vector<1x1384xi1>
    %ge3A_525 = arith.constant 6.400000e+05 : f32
    %ge3A_526 = vector.broadcast %ge3A_525 : f32 to vector<1x1384xf32>
    %ge3A_527 = arith.cmpf oge, %broadcast_in_dim3A_502, %ge3A_526 : vector<1x1384xf32>
    %or3A_528 = arith.ori %ge3A_527, %broadcast_in_dim3A_524 : vector<1x1384xi1>
    %lt3A_529 = arith.constant 3.840000e+05 : f32
    %lt3A_530 = vector.broadcast %lt3A_529 : f32 to vector<1x1384xf32>
    %lt3A_531 = arith.cmpf olt, %broadcast_in_dim3A_502, %lt3A_530 : vector<1x1384xf32>
    %not3A_532 = arith.constant dense<true> : vector<1x1384xi1>
    %not3A_533 = arith.xori %or3A_528, %not3A_532 : vector<1x1384xi1>
    %and3A_534 = arith.andi %lt3A_531, %not3A_533 : vector<1x1384xi1>
    %jit3A_535 = arith.constant 0.000000e+00 : f32
    %jit3A_536 = arith.constant -1.000000e+00 : f32
    %broadcast_in_dim3A_537 = vector.broadcast %jit3A_535 : f32 to vector<1x1384xf32>
    %broadcast_in_dim3A_538 = vector.broadcast %jit3A_536 : f32 to vector<1x1384xf32>
    %select_n3A_539 = arith.select %and3A_534, %broadcast_in_dim3A_537, %broadcast_in_dim3A_538 : vector<1x1384xi1>, vector<1x1384xf32>
    %jit3A_540 = arith.constant 1.000000e+00 : f32
    %broadcast_in_dim3A_541 = vector.broadcast %jit3A_540 : f32 to vector<1x1384xf32>
    %select_n3A_542 = arith.select %or3A_528, %broadcast_in_dim3A_541, %select_n3A_539 : vector<1x1384xi1>, vector<1x1384xf32>
    %swap3A_543 = arith.constant 3 : index
    %swap3A_544 = arith.constant 0 : index
    %swap3A_545 = arith.constant 0 : index
    %swap3A_546 = vector.load %arg5[%swap3A_543, %swap3A_544, %swap3A_545] : memref<8x1x1384xf32, #tpu.memory_space<vmem>>, vector<1x1x1384xf32>
    %swap3A_547 = vector.shape_cast %swap3A_546 : vector<1x1x1384xf32> to vector<1x1384xf32>
    %swap3A_548 = vector.shape_cast %select_n3A_542 : vector<1x1384xf32> to vector<1x1x1384xf32>
    tpu.vector_store %arg5[%swap3A_543, %swap3A_544, %swap3A_545], %swap3A_548 {strides = array<i32>} : memref<8x1x1384xf32, #tpu.memory_space<vmem>>, vector<1x1x1384xf32>,
    %convert_element_type3A_549 = arith.fptosi %broadcast_in_dim3A_502 : vector<1x1384xf32> to vector<1x1384xi32>
    %mul3A_550 = arith.constant 8 : i32
    %mul3A_551 = arith.muli %arg0, %mul3A_550 : i32
    %add3A_552 = arith.constant 3 : i32
    %add3A_553 = arith.addi %mul3A_551, %add3A_552 : i32
    %and3A_554 = arith.constant 127 : i32
    %and3A_555 = vector.broadcast %and3A_554 : i32 to vector<1x1384xi32>
    %and3A_556 = arith.andi %convert_element_type3A_549, %and3A_555 : vector<1x1384xi32>
    %sub3A_557 = arith.constant 127 : i32
    %sub3A_558 = vector.broadcast %sub3A_557 : i32 to vector<1x1384xi32>
    %sub3A_559 = arith.subi %sub3A_558, %and3A_556 : vector<1x1384xi32>
    %mul3A_560 = arith.constant 128 : i32
    %mul3A_561 = arith.muli %add3A_553, %mul3A_560 : i32
    %add3A_562 = vector.broadcast %mul3A_561 : i32 to vector<1x1384xi32>
    %add3A_563 = arith.addi %sub3A_559, %add3A_562 : vector<1x1384xi32>
    %swap3A_564 = arith.constant 3 : index
    %swap3A_565 = arith.constant 0 : index
    %swap3A_566 = arith.constant 0 : index
    %swap3A_567 = vector.load %arg4[%swap3A_564, %swap3A_565, %swap3A_566] : memref<8x1x1384xi32, #tpu.memory_space<vmem>>, vector<1x1x1384xi32>
    %swap3A_568 = vector.shape_cast %swap3A_567 : vector<1x1x1384xi32> to vector<1x1384xi32>
    %swap3A_569 = vector.shape_cast %add3A_563 : vector<1x1384xi32> to vector<1x1x1384xi32>
    tpu.vector_store %arg4[%swap3A_564, %swap3A_565, %swap3A_566], %swap3A_569 {strides = array<i32>} : memref<8x1x1384xi32, #tpu.memory_space<vmem>>, vector<1x1x1384xi32>,
    %get3A_570 = arith.constant 4 : index
    %get3A_571 = arith.constant 0 : index
    %get3A_572 = arith.constant 0 : index
    %get3A_573 = vector.load %arg1[%get3A_570, %get3A_571, %get3A_572] : memref<8x128x4xf32, #tpu.memory_space<vmem>>, vector<1x128x1xf32>
    %get3A_574 = vector.shape_cast %get3A_573 : vector<1x128x1xf32> to vector<128x1xf32>
    %get3A_575 = arith.constant 4 : index
    %get3A_576 = arith.constant 0 : index
    %get3A_577 = arith.constant 1 : index
    %get3A_578 = vector.load %arg1[%get3A_575, %get3A_576, %get3A_577] : memref<8x128x4xf32, #tpu.memory_space<vmem>>, vector<1x128x1xf32>
    %get3A_579 = vector.shape_cast %get3A_578 : vector<1x128x1xf32> to vector<128x1xf32>
    %get3A_580 = arith.constant 4 : index
    %get3A_581 = arith.constant 0 : index
    %get3A_582 = arith.constant 2 : index
    %get3A_583 = vector.load %arg1[%get3A_580, %get3A_581, %get3A_582] : memref<8x128x4xf32, #tpu.memory_space<vmem>>, vector<1x128x1xf32>
    %get3A_584 = vector.shape_cast %get3A_583 : vector<1x128x1xf32> to vector<128x1xf32>
    %get3A_585 = arith.constant 4 : index
    %get3A_586 = arith.constant 0 : index
    %get3A_587 = arith.constant 3 : index
    %get3A_588 = vector.load %arg1[%get3A_585, %get3A_586, %get3A_587] : memref<8x128x4xf32, #tpu.memory_space<vmem>>, vector<1x128x1xf32>
    %get3A_589 = vector.shape_cast %get3A_588 : vector<1x128x1xf32> to vector<128x1xf32>
    %get3A_590 = arith.constant 0 : index
    %get3A_591 = arith.constant 0 : index
    %get3A_592 = vector.load %arg2[%get3A_590, %get3A_591] : memref<5x1384xf32, #tpu.memory_space<vmem>>, vector<1x1384xf32>
    %get3A_593 = arith.constant 1 : index
    %get3A_594 = arith.constant 0 : index
    %get3A_595 = vector.load %arg2[%get3A_593, %get3A_594] : memref<5x1384xf32, #tpu.memory_space<vmem>>, vector<1x1384xf32>
    %get3A_596 = arith.constant 2 : index
    %get3A_597 = arith.constant 0 : index
    %get3A_598 = vector.load %arg2[%get3A_596, %get3A_597] : memref<5x1384xf32, #tpu.memory_space<vmem>>, vector<1x1384xf32>
    %get3A_599 = arith.constant 3 : index
    %get3A_600 = arith.constant 0 : index
    %get3A_601 = vector.load %arg2[%get3A_599, %get3A_600] : memref<5x1384xf32, #tpu.memory_space<vmem>>, vector<1x1384xf32>
    %get3A_602 = arith.constant 4 : index
    %get3A_603 = arith.constant 0 : index
    %get3A_604 = vector.load %arg2[%get3A_602, %get3A_603] : memref<5x1384xf32, #tpu.memory_space<vmem>>, vector<1x1384xf32>
    %min3A_605 = vector.broadcast %get3A_598 : vector<1x1384xf32> to vector<128x1384xf32>
    %min3A_606 = vector.broadcast %get3A_584 : vector<128x1xf32> to vector<128x1384xf32>
    %min3A_607 = arith.minimumf %min3A_605, %min3A_606 : vector<128x1384xf32>
    %max3A_608 = vector.broadcast %get3A_592 : vector<1x1384xf32> to vector<128x1384xf32>
    %max3A_609 = vector.broadcast %get3A_574 : vector<128x1xf32> to vector<128x1384xf32>
    %max3A_610 = arith.maximumf %max3A_608, %max3A_609 : vector<128x1384xf32>
    %sub3A_611 = arith.subf %min3A_607, %max3A_610 : vector<128x1384xf32>
    %max3A_612 = arith.constant 0.000000e+00 : f32
    %max3A_613 = vector.broadcast %max3A_612 : f32 to vector<128x1384xf32>
    %max3A_614 = arith.maximumf %sub3A_611, %max3A_613 : vector<128x1384xf32>
    %min3A_615 = vector.broadcast %get3A_601 : vector<1x1384xf32> to vector<128x1384xf32>
    %min3A_616 = vector.broadcast %get3A_589 : vector<128x1xf32> to vector<128x1384xf32>
    %min3A_617 = arith.minimumf %min3A_615, %min3A_616 : vector<128x1384xf32>
    %max3A_618 = vector.broadcast %get3A_595 : vector<1x1384xf32> to vector<128x1384xf32>
    %max3A_619 = vector.broadcast %get3A_579 : vector<128x1xf32> to vector<128x1384xf32>
    %max3A_620 = arith.maximumf %max3A_618, %max3A_619 : vector<128x1384xf32>
    %sub3A_621 = arith.subf %min3A_617, %max3A_620 : vector<128x1384xf32>
    %max3A_622 = arith.constant 0.000000e+00 : f32
    %max3A_623 = vector.broadcast %max3A_622 : f32 to vector<128x1384xf32>
    %max3A_624 = arith.maximumf %sub3A_621, %max3A_623 : vector<128x1384xf32>
    %mul3A_625 = arith.mulf %max3A_614, %max3A_624 : vector<128x1384xf32>
    %sub3A_626 = arith.subf %get3A_584, %get3A_574 : vector<128x1xf32>
    %sub3A_627 = arith.subf %get3A_589, %get3A_579 : vector<128x1xf32>
    %mul3A_628 = arith.mulf %sub3A_626, %sub3A_627 : vector<128x1xf32>
    %add3A_629 = vector.broadcast %get3A_604 : vector<1x1384xf32> to vector<128x1384xf32>
    %add3A_630 = vector.broadcast %mul3A_628 : vector<128x1xf32> to vector<128x1384xf32>
    %add3A_631 = arith.addf %add3A_629, %add3A_630 : vector<128x1384xf32>
    %sub3A_632 = arith.subf %add3A_631, %mul3A_625 : vector<128x1384xf32>
    %add3A_633 = arith.constant 9.99999974E-5 : f32
    %add3A_634 = vector.broadcast %add3A_633 : f32 to vector<128x1384xf32>
    %add3A_635 = arith.addf %sub3A_632, %add3A_634 : vector<128x1384xf32>
    %div3A_636 = arith.divf %mul3A_625, %add3A_635 : vector<128x1384xf32>
    %mul3A_637 = arith.constant 1.000000e+04 : f32
    %mul3A_638 = vector.broadcast %mul3A_637 : f32 to vector<128x1384xf32>
    %mul3A_639 = arith.mulf %div3A_636, %mul3A_638 : vector<128x1384xf32>
    %round3A_640 = math.roundeven %mul3A_639 : vector<128x1384xf32>
    %mul3A_641 = arith.constant 1.280000e+02 : f32
    %mul3A_642 = vector.broadcast %mul3A_641 : f32 to vector<128x1384xf32>
    %mul3A_643 = arith.mulf %round3A_640, %mul3A_642 : vector<128x1384xf32>
    %get3A_644 = arith.constant 0 : index
    %get3A_645 = arith.constant 0 : index
    %get3A_646 = vector.load %arg3[%get3A_644, %get3A_645] : memref<128x1384xf32, #tpu.memory_space<vmem>>, vector<128x1384xf32>
    %add3A_647 = arith.addf %mul3A_643, %get3A_646 : vector<128x1384xf32>
    %reduce_max3A_648 = arith.constant dense<0xFF800000> : vector<1384xf32>
    %reduce_max3A_649 = vector.multi_reduction <maximumf>, %add3A_647, %reduce_max3A_648 [0] : vector<128x1384xf32> to vector<1384xf32>
    %broadcast_in_dim3A_650 = vector.shape_cast %reduce_max3A_649 : vector<1384xf32> to vector<1x1384xf32>
    %reduce_max3A_651 = arith.constant dense<0xFF800000> : vector<128xf32>
    %reduce_max3A_652 = vector.multi_reduction <maximumf>, %round3A_640, %reduce_max3A_651 [1] : vector<128x1384xf32> to vector<128xf32>
    %broadcast_in_dim3A_653 = vector.shape_cast %reduce_max3A_652 : vector<128xf32> to vector<128x1xf32>
    %gt3A_654 = arith.constant 1.000000e+02 : f32
    %gt3A_655 = vector.broadcast %gt3A_654 : f32 to vector<128x1xf32>
    %gt3A_656 = arith.cmpf ogt, %broadcast_in_dim3A_653, %gt3A_655 : vector<128x1xf32>
    %jit3A_657 = arith.constant -1.000000e+00 : f32
    %broadcast_in_dim3A_658 = vector.broadcast %jit3A_657 : f32 to vector<128x1xf32>
    %select_n3A_659 = arith.select %gt3A_656, %broadcast_in_dim3A_653, %broadcast_in_dim3A_658 : vector<128x1xi1>, vector<128x1xf32>
    %eq3A_660 = vector.broadcast %select_n3A_659 : vector<128x1xf32> to vector<128x1384xf32>
    %eq3A_661 = arith.cmpf oeq, %round3A_640, %eq3A_660 : vector<128x1384xf32>
    %reduce_or3A_662 = arith.constant 1.000000e+00 : f32
    %reduce_or3A_663 = arith.constant 0.000000e+00 : f32
    %reduce_or3A_664 = vector.broadcast %reduce_or3A_662 : f32 to vector<128x1384xf32>
    %reduce_or3A_665 = vector.broadcast %reduce_or3A_663 : f32 to vector<128x1384xf32>
    %reduce_or3A_666 = arith.select %eq3A_661, %reduce_or3A_664, %reduce_or3A_665 : vector<128x1384xi1>, vector<128x1384xf32>
    %reduce_or3A_667 = arith.constant dense<0xFF800000> : vector<1384xf32>
    %reduce_or3A_668 = vector.multi_reduction <maximumf>, %reduce_or3A_666, %reduce_or3A_667 [0] : vector<128x1384xf32> to vector<1384xf32>
    %reduce_or3A_669 = arith.constant 0.000000e+00 : f32
    %reduce_or3A_670 = vector.broadcast %reduce_or3A_669 : f32 to vector<1384xf32>
    %reduce_or3A_671 = arith.cmpf ogt, %reduce_or3A_668, %reduce_or3A_670 : vector<1384xf32>
    %broadcast_in_dim3A_672 = vector.shape_cast %reduce_or3A_671 : vector<1384xi1> to vector<1x1384xi1>
    %ge3A_673 = arith.constant 6.400000e+05 : f32
    %ge3A_674 = vector.broadcast %ge3A_673 : f32 to vector<1x1384xf32>
    %ge3A_675 = arith.cmpf oge, %broadcast_in_dim3A_650, %ge3A_674 : vector<1x1384xf32>
    %or3A_676 = arith.ori %ge3A_675, %broadcast_in_dim3A_672 : vector<1x1384xi1>
    %lt3A_677 = arith.constant 3.840000e+05 : f32
    %lt3A_678 = vector.broadcast %lt3A_677 : f32 to vector<1x1384xf32>
    %lt3A_679 = arith.cmpf olt, %broadcast_in_dim3A_650, %lt3A_678 : vector<1x1384xf32>
    %not3A_680 = arith.constant dense<true> : vector<1x1384xi1>
    %not3A_681 = arith.xori %or3A_676, %not3A_680 : vector<1x1384xi1>
    %and3A_682 = arith.andi %lt3A_679, %not3A_681 : vector<1x1384xi1>
    %jit3A_683 = arith.constant 0.000000e+00 : f32
    %jit3A_684 = arith.constant -1.000000e+00 : f32
    %broadcast_in_dim3A_685 = vector.broadcast %jit3A_683 : f32 to vector<1x1384xf32>
    %broadcast_in_dim3A_686 = vector.broadcast %jit3A_684 : f32 to vector<1x1384xf32>
    %select_n3A_687 = arith.select %and3A_682, %broadcast_in_dim3A_685, %broadcast_in_dim3A_686 : vector<1x1384xi1>, vector<1x1384xf32>
    %jit3A_688 = arith.constant 1.000000e+00 : f32
    %broadcast_in_dim3A_689 = vector.broadcast %jit3A_688 : f32 to vector<1x1384xf32>
    %select_n3A_690 = arith.select %or3A_676, %broadcast_in_dim3A_689, %select_n3A_687 : vector<1x1384xi1>, vector<1x1384xf32>
    %swap3A_691 = arith.constant 4 : index
    %swap3A_692 = arith.constant 0 : index
    %swap3A_693 = arith.constant 0 : index
    %swap3A_694 = vector.load %arg5[%swap3A_691, %swap3A_692, %swap3A_693] : memref<8x1x1384xf32, #tpu.memory_space<vmem>>, vector<1x1x1384xf32>
    %swap3A_695 = vector.shape_cast %swap3A_694 : vector<1x1x1384xf32> to vector<1x1384xf32>
    %swap3A_696 = vector.shape_cast %select_n3A_690 : vector<1x1384xf32> to vector<1x1x1384xf32>
    tpu.vector_store %arg5[%swap3A_691, %swap3A_692, %swap3A_693], %swap3A_696 {strides = array<i32>} : memref<8x1x1384xf32, #tpu.memory_space<vmem>>, vector<1x1x1384xf32>,
    %convert_element_type3A_697 = arith.fptosi %broadcast_in_dim3A_650 : vector<1x1384xf32> to vector<1x1384xi32>
    %mul3A_698 = arith.constant 8 : i32
    %mul3A_699 = arith.muli %arg0, %mul3A_698 : i32
    %add3A_700 = arith.constant 4 : i32
    %add3A_701 = arith.addi %mul3A_699, %add3A_700 : i32
    %and3A_702 = arith.constant 127 : i32
    %and3A_703 = vector.broadcast %and3A_702 : i32 to vector<1x1384xi32>
    %and3A_704 = arith.andi %convert_element_type3A_697, %and3A_703 : vector<1x1384xi32>
    %sub3A_705 = arith.constant 127 : i32
    %sub3A_706 = vector.broadcast %sub3A_705 : i32 to vector<1x1384xi32>
    %sub3A_707 = arith.subi %sub3A_706, %and3A_704 : vector<1x1384xi32>
    %mul3A_708 = arith.constant 128 : i32
    %mul3A_709 = arith.muli %add3A_701, %mul3A_708 : i32
    %add3A_710 = vector.broadcast %mul3A_709 : i32 to vector<1x1384xi32>
    %add3A_711 = arith.addi %sub3A_707, %add3A_710 : vector<1x1384xi32>
    %swap3A_712 = arith.constant 4 : index
    %swap3A_713 = arith.constant 0 : index
    %swap3A_714 = arith.constant 0 : index
    %swap3A_715 = vector.load %arg4[%swap3A_712, %swap3A_713, %swap3A_714] : memref<8x1x1384xi32, #tpu.memory_space<vmem>>, vector<1x1x1384xi32>
    %swap3A_716 = vector.shape_cast %swap3A_715 : vector<1x1x1384xi32> to vector<1x1384xi32>
    %swap3A_717 = vector.shape_cast %add3A_711 : vector<1x1384xi32> to vector<1x1x1384xi32>
    tpu.vector_store %arg4[%swap3A_712, %swap3A_713, %swap3A_714], %swap3A_717 {strides = array<i32>} : memref<8x1x1384xi32, #tpu.memory_space<vmem>>, vector<1x1x1384xi32>,
    %get3A_718 = arith.constant 5 : index
    %get3A_719 = arith.constant 0 : index
    %get3A_720 = arith.constant 0 : index
    %get3A_721 = vector.load %arg1[%get3A_718, %get3A_719, %get3A_720] : memref<8x128x4xf32, #tpu.memory_space<vmem>>, vector<1x128x1xf32>
    %get3A_722 = vector.shape_cast %get3A_721 : vector<1x128x1xf32> to vector<128x1xf32>
    %get3A_723 = arith.constant 5 : index
    %get3A_724 = arith.constant 0 : index
    %get3A_725 = arith.constant 1 : index
    %get3A_726 = vector.load %arg1[%get3A_723, %get3A_724, %get3A_725] : memref<8x128x4xf32, #tpu.memory_space<vmem>>, vector<1x128x1xf32>
    %get3A_727 = vector.shape_cast %get3A_726 : vector<1x128x1xf32> to vector<128x1xf32>
    %get3A_728 = arith.constant 5 : index
    %get3A_729 = arith.constant 0 : index
    %get3A_730 = arith.constant 2 : index
    %get3A_731 = vector.load %arg1[%get3A_728, %get3A_729, %get3A_730] : memref<8x128x4xf32, #tpu.memory_space<vmem>>, vector<1x128x1xf32>
    %get3A_732 = vector.shape_cast %get3A_731 : vector<1x128x1xf32> to vector<128x1xf32>
    %get3A_733 = arith.constant 5 : index
    %get3A_734 = arith.constant 0 : index
    %get3A_735 = arith.constant 3 : index
    %get3A_736 = vector.load %arg1[%get3A_733, %get3A_734, %get3A_735] : memref<8x128x4xf32, #tpu.memory_space<vmem>>, vector<1x128x1xf32>
    %get3A_737 = vector.shape_cast %get3A_736 : vector<1x128x1xf32> to vector<128x1xf32>
    %get3A_738 = arith.constant 0 : index
    %get3A_739 = arith.constant 0 : index
    %get3A_740 = vector.load %arg2[%get3A_738, %get3A_739] : memref<5x1384xf32, #tpu.memory_space<vmem>>, vector<1x1384xf32>
    %get3A_741 = arith.constant 1 : index
    %get3A_742 = arith.constant 0 : index
    %get3A_743 = vector.load %arg2[%get3A_741, %get3A_742] : memref<5x1384xf32, #tpu.memory_space<vmem>>, vector<1x1384xf32>
    %get3A_744 = arith.constant 2 : index
    %get3A_745 = arith.constant 0 : index
    %get3A_746 = vector.load %arg2[%get3A_744, %get3A_745] : memref<5x1384xf32, #tpu.memory_space<vmem>>, vector<1x1384xf32>
    %get3A_747 = arith.constant 3 : index
    %get3A_748 = arith.constant 0 : index
    %get3A_749 = vector.load %arg2[%get3A_747, %get3A_748] : memref<5x1384xf32, #tpu.memory_space<vmem>>, vector<1x1384xf32>
    %get3A_750 = arith.constant 4 : index
    %get3A_751 = arith.constant 0 : index
    %get3A_752 = vector.load %arg2[%get3A_750, %get3A_751] : memref<5x1384xf32, #tpu.memory_space<vmem>>, vector<1x1384xf32>
    %min3A_753 = vector.broadcast %get3A_746 : vector<1x1384xf32> to vector<128x1384xf32>
    %min3A_754 = vector.broadcast %get3A_732 : vector<128x1xf32> to vector<128x1384xf32>
    %min3A_755 = arith.minimumf %min3A_753, %min3A_754 : vector<128x1384xf32>
    %max3A_756 = vector.broadcast %get3A_740 : vector<1x1384xf32> to vector<128x1384xf32>
    %max3A_757 = vector.broadcast %get3A_722 : vector<128x1xf32> to vector<128x1384xf32>
    %max3A_758 = arith.maximumf %max3A_756, %max3A_757 : vector<128x1384xf32>
    %sub3A_759 = arith.subf %min3A_755, %max3A_758 : vector<128x1384xf32>
    %max3A_760 = arith.constant 0.000000e+00 : f32
    %max3A_761 = vector.broadcast %max3A_760 : f32 to vector<128x1384xf32>
    %max3A_762 = arith.maximumf %sub3A_759, %max3A_761 : vector<128x1384xf32>
    %min3A_763 = vector.broadcast %get3A_749 : vector<1x1384xf32> to vector<128x1384xf32>
    %min3A_764 = vector.broadcast %get3A_737 : vector<128x1xf32> to vector<128x1384xf32>
    %min3A_765 = arith.minimumf %min3A_763, %min3A_764 : vector<128x1384xf32>
    %max3A_766 = vector.broadcast %get3A_743 : vector<1x1384xf32> to vector<128x1384xf32>
    %max3A_767 = vector.broadcast %get3A_727 : vector<128x1xf32> to vector<128x1384xf32>
    %max3A_768 = arith.maximumf %max3A_766, %max3A_767 : vector<128x1384xf32>
    %sub3A_769 = arith.subf %min3A_765, %max3A_768 : vector<128x1384xf32>
    %max3A_770 = arith.constant 0.000000e+00 : f32
    %max3A_771 = vector.broadcast %max3A_770 : f32 to vector<128x1384xf32>
    %max3A_772 = arith.maximumf %sub3A_769, %max3A_771 : vector<128x1384xf32>
    %mul3A_773 = arith.mulf %max3A_762, %max3A_772 : vector<128x1384xf32>
    %sub3A_774 = arith.subf %get3A_732, %get3A_722 : vector<128x1xf32>
    %sub3A_775 = arith.subf %get3A_737, %get3A_727 : vector<128x1xf32>
    %mul3A_776 = arith.mulf %sub3A_774, %sub3A_775 : vector<128x1xf32>
    %add3A_777 = vector.broadcast %get3A_752 : vector<1x1384xf32> to vector<128x1384xf32>
    %add3A_778 = vector.broadcast %mul3A_776 : vector<128x1xf32> to vector<128x1384xf32>
    %add3A_779 = arith.addf %add3A_777, %add3A_778 : vector<128x1384xf32>
    %sub3A_780 = arith.subf %add3A_779, %mul3A_773 : vector<128x1384xf32>
    %add3A_781 = arith.constant 9.99999974E-5 : f32
    %add3A_782 = vector.broadcast %add3A_781 : f32 to vector<128x1384xf32>
    %add3A_783 = arith.addf %sub3A_780, %add3A_782 : vector<128x1384xf32>
    %div3A_784 = arith.divf %mul3A_773, %add3A_783 : vector<128x1384xf32>
    %mul3A_785 = arith.constant 1.000000e+04 : f32
    %mul3A_786 = vector.broadcast %mul3A_785 : f32 to vector<128x1384xf32>
    %mul3A_787 = arith.mulf %div3A_784, %mul3A_786 : vector<128x1384xf32>
    %round3A_788 = math.roundeven %mul3A_787 : vector<128x1384xf32>
    %mul3A_789 = arith.constant 1.280000e+02 : f32
    %mul3A_790 = vector.broadcast %mul3A_789 : f32 to vector<128x1384xf32>
    %mul3A_791 = arith.mulf %round3A_788, %mul3A_790 : vector<128x1384xf32>
    %get3A_792 = arith.constant 0 : index
    %get3A_793 = arith.constant 0 : index
    %get3A_794 = vector.load %arg3[%get3A_792, %get3A_793] : memref<128x1384xf32, #tpu.memory_space<vmem>>, vector<128x1384xf32>
    %add3A_795 = arith.addf %mul3A_791, %get3A_794 : vector<128x1384xf32>
    %reduce_max3A_796 = arith.constant dense<0xFF800000> : vector<1384xf32>
    %reduce_max3A_797 = vector.multi_reduction <maximumf>, %add3A_795, %reduce_max3A_796 [0] : vector<128x1384xf32> to vector<1384xf32>
    %broadcast_in_dim3A_798 = vector.shape_cast %reduce_max3A_797 : vector<1384xf32> to vector<1x1384xf32>
    %reduce_max3A_799 = arith.constant dense<0xFF800000> : vector<128xf32>
    %reduce_max3A_800 = vector.multi_reduction <maximumf>, %round3A_788, %reduce_max3A_799 [1] : vector<128x1384xf32> to vector<128xf32>
    %broadcast_in_dim3A_801 = vector.shape_cast %reduce_max3A_800 : vector<128xf32> to vector<128x1xf32>
    %gt3A_802 = arith.constant 1.000000e+02 : f32
    %gt3A_803 = vector.broadcast %gt3A_802 : f32 to vector<128x1xf32>
    %gt3A_804 = arith.cmpf ogt, %broadcast_in_dim3A_801, %gt3A_803 : vector<128x1xf32>
    %jit3A_805 = arith.constant -1.000000e+00 : f32
    %broadcast_in_dim3A_806 = vector.broadcast %jit3A_805 : f32 to vector<128x1xf32>
    %select_n3A_807 = arith.select %gt3A_804, %broadcast_in_dim3A_801, %broadcast_in_dim3A_806 : vector<128x1xi1>, vector<128x1xf32>
    %eq3A_808 = vector.broadcast %select_n3A_807 : vector<128x1xf32> to vector<128x1384xf32>
    %eq3A_809 = arith.cmpf oeq, %round3A_788, %eq3A_808 : vector<128x1384xf32>
    %reduce_or3A_810 = arith.constant 1.000000e+00 : f32
    %reduce_or3A_811 = arith.constant 0.000000e+00 : f32
    %reduce_or3A_812 = vector.broadcast %reduce_or3A_810 : f32 to vector<128x1384xf32>
    %reduce_or3A_813 = vector.broadcast %reduce_or3A_811 : f32 to vector<128x1384xf32>
    %reduce_or3A_814 = arith.select %eq3A_809, %reduce_or3A_812, %reduce_or3A_813 : vector<128x1384xi1>, vector<128x1384xf32>
    %reduce_or3A_815 = arith.constant dense<0xFF800000> : vector<1384xf32>
    %reduce_or3A_816 = vector.multi_reduction <maximumf>, %reduce_or3A_814, %reduce_or3A_815 [0] : vector<128x1384xf32> to vector<1384xf32>
    %reduce_or3A_817 = arith.constant 0.000000e+00 : f32
    %reduce_or3A_818 = vector.broadcast %reduce_or3A_817 : f32 to vector<1384xf32>
    %reduce_or3A_819 = arith.cmpf ogt, %reduce_or3A_816, %reduce_or3A_818 : vector<1384xf32>
    %broadcast_in_dim3A_820 = vector.shape_cast %reduce_or3A_819 : vector<1384xi1> to vector<1x1384xi1>
    %ge3A_821 = arith.constant 6.400000e+05 : f32
    %ge3A_822 = vector.broadcast %ge3A_821 : f32 to vector<1x1384xf32>
    %ge3A_823 = arith.cmpf oge, %broadcast_in_dim3A_798, %ge3A_822 : vector<1x1384xf32>
    %or3A_824 = arith.ori %ge3A_823, %broadcast_in_dim3A_820 : vector<1x1384xi1>
    %lt3A_825 = arith.constant 3.840000e+05 : f32
    %lt3A_826 = vector.broadcast %lt3A_825 : f32 to vector<1x1384xf32>
    %lt3A_827 = arith.cmpf olt, %broadcast_in_dim3A_798, %lt3A_826 : vector<1x1384xf32>
    %not3A_828 = arith.constant dense<true> : vector<1x1384xi1>
    %not3A_829 = arith.xori %or3A_824, %not3A_828 : vector<1x1384xi1>
    %and3A_830 = arith.andi %lt3A_827, %not3A_829 : vector<1x1384xi1>
    %jit3A_831 = arith.constant 0.000000e+00 : f32
    %jit3A_832 = arith.constant -1.000000e+00 : f32
    %broadcast_in_dim3A_833 = vector.broadcast %jit3A_831 : f32 to vector<1x1384xf32>
    %broadcast_in_dim3A_834 = vector.broadcast %jit3A_832 : f32 to vector<1x1384xf32>
    %select_n3A_835 = arith.select %and3A_830, %broadcast_in_dim3A_833, %broadcast_in_dim3A_834 : vector<1x1384xi1>, vector<1x1384xf32>
    %jit3A_836 = arith.constant 1.000000e+00 : f32
    %broadcast_in_dim3A_837 = vector.broadcast %jit3A_836 : f32 to vector<1x1384xf32>
    %select_n3A_838 = arith.select %or3A_824, %broadcast_in_dim3A_837, %select_n3A_835 : vector<1x1384xi1>, vector<1x1384xf32>
    %swap3A_839 = arith.constant 5 : index
    %swap3A_840 = arith.constant 0 : index
    %swap3A_841 = arith.constant 0 : index
    %swap3A_842 = vector.load %arg5[%swap3A_839, %swap3A_840, %swap3A_841] : memref<8x1x1384xf32, #tpu.memory_space<vmem>>, vector<1x1x1384xf32>
    %swap3A_843 = vector.shape_cast %swap3A_842 : vector<1x1x1384xf32> to vector<1x1384xf32>
    %swap3A_844 = vector.shape_cast %select_n3A_838 : vector<1x1384xf32> to vector<1x1x1384xf32>
    tpu.vector_store %arg5[%swap3A_839, %swap3A_840, %swap3A_841], %swap3A_844 {strides = array<i32>} : memref<8x1x1384xf32, #tpu.memory_space<vmem>>, vector<1x1x1384xf32>,
    %convert_element_type3A_845 = arith.fptosi %broadcast_in_dim3A_798 : vector<1x1384xf32> to vector<1x1384xi32>
    %mul3A_846 = arith.constant 8 : i32
    %mul3A_847 = arith.muli %arg0, %mul3A_846 : i32
    %add3A_848 = arith.constant 5 : i32
    %add3A_849 = arith.addi %mul3A_847, %add3A_848 : i32
    %and3A_850 = arith.constant 127 : i32
    %and3A_851 = vector.broadcast %and3A_850 : i32 to vector<1x1384xi32>
    %and3A_852 = arith.andi %convert_element_type3A_845, %and3A_851 : vector<1x1384xi32>
    %sub3A_853 = arith.constant 127 : i32
    %sub3A_854 = vector.broadcast %sub3A_853 : i32 to vector<1x1384xi32>
    %sub3A_855 = arith.subi %sub3A_854, %and3A_852 : vector<1x1384xi32>
    %mul3A_856 = arith.constant 128 : i32
    %mul3A_857 = arith.muli %add3A_849, %mul3A_856 : i32
    %add3A_858 = vector.broadcast %mul3A_857 : i32 to vector<1x1384xi32>
    %add3A_859 = arith.addi %sub3A_855, %add3A_858 : vector<1x1384xi32>
    %swap3A_860 = arith.constant 5 : index
    %swap3A_861 = arith.constant 0 : index
    %swap3A_862 = arith.constant 0 : index
    %swap3A_863 = vector.load %arg4[%swap3A_860, %swap3A_861, %swap3A_862] : memref<8x1x1384xi32, #tpu.memory_space<vmem>>, vector<1x1x1384xi32>
    %swap3A_864 = vector.shape_cast %swap3A_863 : vector<1x1x1384xi32> to vector<1x1384xi32>
    %swap3A_865 = vector.shape_cast %add3A_859 : vector<1x1384xi32> to vector<1x1x1384xi32>
    tpu.vector_store %arg4[%swap3A_860, %swap3A_861, %swap3A_862], %swap3A_865 {strides = array<i32>} : memref<8x1x1384xi32, #tpu.memory_space<vmem>>, vector<1x1x1384xi32>,
    %get3A_866 = arith.constant 6 : index
    %get3A_867 = arith.constant 0 : index
    %get3A_868 = arith.constant 0 : index
    %get3A_869 = vector.load %arg1[%get3A_866, %get3A_867, %get3A_868] : memref<8x128x4xf32, #tpu.memory_space<vmem>>, vector<1x128x1xf32>
    %get3A_870 = vector.shape_cast %get3A_869 : vector<1x128x1xf32> to vector<128x1xf32>
    %get3A_871 = arith.constant 6 : index
    %get3A_872 = arith.constant 0 : index
    %get3A_873 = arith.constant 1 : index
    %get3A_874 = vector.load %arg1[%get3A_871, %get3A_872, %get3A_873] : memref<8x128x4xf32, #tpu.memory_space<vmem>>, vector<1x128x1xf32>
    %get3A_875 = vector.shape_cast %get3A_874 : vector<1x128x1xf32> to vector<128x1xf32>
    %get3A_876 = arith.constant 6 : index
    %get3A_877 = arith.constant 0 : index
    %get3A_878 = arith.constant 2 : index
    %get3A_879 = vector.load %arg1[%get3A_876, %get3A_877, %get3A_878] : memref<8x128x4xf32, #tpu.memory_space<vmem>>, vector<1x128x1xf32>
    %get3A_880 = vector.shape_cast %get3A_879 : vector<1x128x1xf32> to vector<128x1xf32>
    %get3A_881 = arith.constant 6 : index
    %get3A_882 = arith.constant 0 : index
    %get3A_883 = arith.constant 3 : index
    %get3A_884 = vector.load %arg1[%get3A_881, %get3A_882, %get3A_883] : memref<8x128x4xf32, #tpu.memory_space<vmem>>, vector<1x128x1xf32>
    %get3A_885 = vector.shape_cast %get3A_884 : vector<1x128x1xf32> to vector<128x1xf32>
    %get3A_886 = arith.constant 0 : index
    %get3A_887 = arith.constant 0 : index
    %get3A_888 = vector.load %arg2[%get3A_886, %get3A_887] : memref<5x1384xf32, #tpu.memory_space<vmem>>, vector<1x1384xf32>
    %get3A_889 = arith.constant 1 : index
    %get3A_890 = arith.constant 0 : index
    %get3A_891 = vector.load %arg2[%get3A_889, %get3A_890] : memref<5x1384xf32, #tpu.memory_space<vmem>>, vector<1x1384xf32>
    %get3A_892 = arith.constant 2 : index
    %get3A_893 = arith.constant 0 : index
    %get3A_894 = vector.load %arg2[%get3A_892, %get3A_893] : memref<5x1384xf32, #tpu.memory_space<vmem>>, vector<1x1384xf32>
    %get3A_895 = arith.constant 3 : index
    %get3A_896 = arith.constant 0 : index
    %get3A_897 = vector.load %arg2[%get3A_895, %get3A_896] : memref<5x1384xf32, #tpu.memory_space<vmem>>, vector<1x1384xf32>
    %get3A_898 = arith.constant 4 : index
    %get3A_899 = arith.constant 0 : index
    %get3A_900 = vector.load %arg2[%get3A_898, %get3A_899] : memref<5x1384xf32, #tpu.memory_space<vmem>>, vector<1x1384xf32>
    %min3A_901 = vector.broadcast %get3A_894 : vector<1x1384xf32> to vector<128x1384xf32>
    %min3A_902 = vector.broadcast %get3A_880 : vector<128x1xf32> to vector<128x1384xf32>
    %min3A_903 = arith.minimumf %min3A_901, %min3A_902 : vector<128x1384xf32>
    %max3A_904 = vector.broadcast %get3A_888 : vector<1x1384xf32> to vector<128x1384xf32>
    %max3A_905 = vector.broadcast %get3A_870 : vector<128x1xf32> to vector<128x1384xf32>
    %max3A_906 = arith.maximumf %max3A_904, %max3A_905 : vector<128x1384xf32>
    %sub3A_907 = arith.subf %min3A_903, %max3A_906 : vector<128x1384xf32>
    %max3A_908 = arith.constant 0.000000e+00 : f32
    %max3A_909 = vector.broadcast %max3A_908 : f32 to vector<128x1384xf32>
    %max3A_910 = arith.maximumf %sub3A_907, %max3A_909 : vector<128x1384xf32>
    %min3A_911 = vector.broadcast %get3A_897 : vector<1x1384xf32> to vector<128x1384xf32>
    %min3A_912 = vector.broadcast %get3A_885 : vector<128x1xf32> to vector<128x1384xf32>
    %min3A_913 = arith.minimumf %min3A_911, %min3A_912 : vector<128x1384xf32>
    %max3A_914 = vector.broadcast %get3A_891 : vector<1x1384xf32> to vector<128x1384xf32>
    %max3A_915 = vector.broadcast %get3A_875 : vector<128x1xf32> to vector<128x1384xf32>
    %max3A_916 = arith.maximumf %max3A_914, %max3A_915 : vector<128x1384xf32>
    %sub3A_917 = arith.subf %min3A_913, %max3A_916 : vector<128x1384xf32>
    %max3A_918 = arith.constant 0.000000e+00 : f32
    %max3A_919 = vector.broadcast %max3A_918 : f32 to vector<128x1384xf32>
    %max3A_920 = arith.maximumf %sub3A_917, %max3A_919 : vector<128x1384xf32>
    %mul3A_921 = arith.mulf %max3A_910, %max3A_920 : vector<128x1384xf32>
    %sub3A_922 = arith.subf %get3A_880, %get3A_870 : vector<128x1xf32>
    %sub3A_923 = arith.subf %get3A_885, %get3A_875 : vector<128x1xf32>
    %mul3A_924 = arith.mulf %sub3A_922, %sub3A_923 : vector<128x1xf32>
    %add3A_925 = vector.broadcast %get3A_900 : vector<1x1384xf32> to vector<128x1384xf32>
    %add3A_926 = vector.broadcast %mul3A_924 : vector<128x1xf32> to vector<128x1384xf32>
    %add3A_927 = arith.addf %add3A_925, %add3A_926 : vector<128x1384xf32>
    %sub3A_928 = arith.subf %add3A_927, %mul3A_921 : vector<128x1384xf32>
    %add3A_929 = arith.constant 9.99999974E-5 : f32
    %add3A_930 = vector.broadcast %add3A_929 : f32 to vector<128x1384xf32>
    %add3A_931 = arith.addf %sub3A_928, %add3A_930 : vector<128x1384xf32>
    %div3A_932 = arith.divf %mul3A_921, %add3A_931 : vector<128x1384xf32>
    %mul3A_933 = arith.constant 1.000000e+04 : f32
    %mul3A_934 = vector.broadcast %mul3A_933 : f32 to vector<128x1384xf32>
    %mul3A_935 = arith.mulf %div3A_932, %mul3A_934 : vector<128x1384xf32>
    %round3A_936 = math.roundeven %mul3A_935 : vector<128x1384xf32>
    %mul3A_937 = arith.constant 1.280000e+02 : f32
    %mul3A_938 = vector.broadcast %mul3A_937 : f32 to vector<128x1384xf32>
    %mul3A_939 = arith.mulf %round3A_936, %mul3A_938 : vector<128x1384xf32>
    %get3A_940 = arith.constant 0 : index
    %get3A_941 = arith.constant 0 : index
    %get3A_942 = vector.load %arg3[%get3A_940, %get3A_941] : memref<128x1384xf32, #tpu.memory_space<vmem>>, vector<128x1384xf32>
    %add3A_943 = arith.addf %mul3A_939, %get3A_942 : vector<128x1384xf32>
    %reduce_max3A_944 = arith.constant dense<0xFF800000> : vector<1384xf32>
    %reduce_max3A_945 = vector.multi_reduction <maximumf>, %add3A_943, %reduce_max3A_944 [0] : vector<128x1384xf32> to vector<1384xf32>
    %broadcast_in_dim3A_946 = vector.shape_cast %reduce_max3A_945 : vector<1384xf32> to vector<1x1384xf32>
    %reduce_max3A_947 = arith.constant dense<0xFF800000> : vector<128xf32>
    %reduce_max3A_948 = vector.multi_reduction <maximumf>, %round3A_936, %reduce_max3A_947 [1] : vector<128x1384xf32> to vector<128xf32>
    %broadcast_in_dim3A_949 = vector.shape_cast %reduce_max3A_948 : vector<128xf32> to vector<128x1xf32>
    %gt3A_950 = arith.constant 1.000000e+02 : f32
    %gt3A_951 = vector.broadcast %gt3A_950 : f32 to vector<128x1xf32>
    %gt3A_952 = arith.cmpf ogt, %broadcast_in_dim3A_949, %gt3A_951 : vector<128x1xf32>
    %jit3A_953 = arith.constant -1.000000e+00 : f32
    %broadcast_in_dim3A_954 = vector.broadcast %jit3A_953 : f32 to vector<128x1xf32>
    %select_n3A_955 = arith.select %gt3A_952, %broadcast_in_dim3A_949, %broadcast_in_dim3A_954 : vector<128x1xi1>, vector<128x1xf32>
    %eq3A_956 = vector.broadcast %select_n3A_955 : vector<128x1xf32> to vector<128x1384xf32>
    %eq3A_957 = arith.cmpf oeq, %round3A_936, %eq3A_956 : vector<128x1384xf32>
    %reduce_or3A_958 = arith.constant 1.000000e+00 : f32
    %reduce_or3A_959 = arith.constant 0.000000e+00 : f32
    %reduce_or3A_960 = vector.broadcast %reduce_or3A_958 : f32 to vector<128x1384xf32>
    %reduce_or3A_961 = vector.broadcast %reduce_or3A_959 : f32 to vector<128x1384xf32>
    %reduce_or3A_962 = arith.select %eq3A_957, %reduce_or3A_960, %reduce_or3A_961 : vector<128x1384xi1>, vector<128x1384xf32>
    %reduce_or3A_963 = arith.constant dense<0xFF800000> : vector<1384xf32>
    %reduce_or3A_964 = vector.multi_reduction <maximumf>, %reduce_or3A_962, %reduce_or3A_963 [0] : vector<128x1384xf32> to vector<1384xf32>
    %reduce_or3A_965 = arith.constant 0.000000e+00 : f32
    %reduce_or3A_966 = vector.broadcast %reduce_or3A_965 : f32 to vector<1384xf32>
    %reduce_or3A_967 = arith.cmpf ogt, %reduce_or3A_964, %reduce_or3A_966 : vector<1384xf32>
    %broadcast_in_dim3A_968 = vector.shape_cast %reduce_or3A_967 : vector<1384xi1> to vector<1x1384xi1>
    %ge3A_969 = arith.constant 6.400000e+05 : f32
    %ge3A_970 = vector.broadcast %ge3A_969 : f32 to vector<1x1384xf32>
    %ge3A_971 = arith.cmpf oge, %broadcast_in_dim3A_946, %ge3A_970 : vector<1x1384xf32>
    %or3A_972 = arith.ori %ge3A_971, %broadcast_in_dim3A_968 : vector<1x1384xi1>
    %lt3A_973 = arith.constant 3.840000e+05 : f32
    %lt3A_974 = vector.broadcast %lt3A_973 : f32 to vector<1x1384xf32>
    %lt3A_975 = arith.cmpf olt, %broadcast_in_dim3A_946, %lt3A_974 : vector<1x1384xf32>
    %not3A_976 = arith.constant dense<true> : vector<1x1384xi1>
    %not3A_977 = arith.xori %or3A_972, %not3A_976 : vector<1x1384xi1>
    %and3A_978 = arith.andi %lt3A_975, %not3A_977 : vector<1x1384xi1>
    %jit3A_979 = arith.constant 0.000000e+00 : f32
    %jit3A_980 = arith.constant -1.000000e+00 : f32
    %broadcast_in_dim3A_981 = vector.broadcast %jit3A_979 : f32 to vector<1x1384xf32>
    %broadcast_in_dim3A_982 = vector.broadcast %jit3A_980 : f32 to vector<1x1384xf32>
    %select_n3A_983 = arith.select %and3A_978, %broadcast_in_dim3A_981, %broadcast_in_dim3A_982 : vector<1x1384xi1>, vector<1x1384xf32>
    %jit3A_984 = arith.constant 1.000000e+00 : f32
    %broadcast_in_dim3A_985 = vector.broadcast %jit3A_984 : f32 to vector<1x1384xf32>
    %select_n3A_986 = arith.select %or3A_972, %broadcast_in_dim3A_985, %select_n3A_983 : vector<1x1384xi1>, vector<1x1384xf32>
    %swap3A_987 = arith.constant 6 : index
    %swap3A_988 = arith.constant 0 : index
    %swap3A_989 = arith.constant 0 : index
    %swap3A_990 = vector.load %arg5[%swap3A_987, %swap3A_988, %swap3A_989] : memref<8x1x1384xf32, #tpu.memory_space<vmem>>, vector<1x1x1384xf32>
    %swap3A_991 = vector.shape_cast %swap3A_990 : vector<1x1x1384xf32> to vector<1x1384xf32>
    %swap3A_992 = vector.shape_cast %select_n3A_986 : vector<1x1384xf32> to vector<1x1x1384xf32>
    tpu.vector_store %arg5[%swap3A_987, %swap3A_988, %swap3A_989], %swap3A_992 {strides = array<i32>} : memref<8x1x1384xf32, #tpu.memory_space<vmem>>, vector<1x1x1384xf32>,
    %convert_element_type3A_993 = arith.fptosi %broadcast_in_dim3A_946 : vector<1x1384xf32> to vector<1x1384xi32>
    %mul3A_994 = arith.constant 8 : i32
    %mul3A_995 = arith.muli %arg0, %mul3A_994 : i32
    %add3A_996 = arith.constant 6 : i32
    %add3A_997 = arith.addi %mul3A_995, %add3A_996 : i32
    %and3A_998 = arith.constant 127 : i32
    %and3A_999 = vector.broadcast %and3A_998 : i32 to vector<1x1384xi32>
    %and3A_1000 = arith.andi %convert_element_type3A_993, %and3A_999 : vector<1x1384xi32>
    %sub3A_1001 = arith.constant 127 : i32
    %sub3A_1002 = vector.broadcast %sub3A_1001 : i32 to vector<1x1384xi32>
    %sub3A_1003 = arith.subi %sub3A_1002, %and3A_1000 : vector<1x1384xi32>
    %mul3A_1004 = arith.constant 128 : i32
    %mul3A_1005 = arith.muli %add3A_997, %mul3A_1004 : i32
    %add3A_1006 = vector.broadcast %mul3A_1005 : i32 to vector<1x1384xi32>
    %add3A_1007 = arith.addi %sub3A_1003, %add3A_1006 : vector<1x1384xi32>
    %swap3A_1008 = arith.constant 6 : index
    %swap3A_1009 = arith.constant 0 : index
    %swap3A_1010 = arith.constant 0 : index
    %swap3A_1011 = vector.load %arg4[%swap3A_1008, %swap3A_1009, %swap3A_1010] : memref<8x1x1384xi32, #tpu.memory_space<vmem>>, vector<1x1x1384xi32>
    %swap3A_1012 = vector.shape_cast %swap3A_1011 : vector<1x1x1384xi32> to vector<1x1384xi32>
    %swap3A_1013 = vector.shape_cast %add3A_1007 : vector<1x1384xi32> to vector<1x1x1384xi32>
    tpu.vector_store %arg4[%swap3A_1008, %swap3A_1009, %swap3A_1010], %swap3A_1013 {strides = array<i32>} : memref<8x1x1384xi32, #tpu.memory_space<vmem>>, vector<1x1x1384xi32>,
    %get3A_1014 = arith.constant 7 : index
    %get3A_1015 = arith.constant 0 : index
    %get3A_1016 = arith.constant 0 : index
    %get3A_1017 = vector.load %arg1[%get3A_1014, %get3A_1015, %get3A_1016] : memref<8x128x4xf32, #tpu.memory_space<vmem>>, vector<1x128x1xf32>
    %get3A_1018 = vector.shape_cast %get3A_1017 : vector<1x128x1xf32> to vector<128x1xf32>
    %get3A_1019 = arith.constant 7 : index
    %get3A_1020 = arith.constant 0 : index
    %get3A_1021 = arith.constant 1 : index
    %get3A_1022 = vector.load %arg1[%get3A_1019, %get3A_1020, %get3A_1021] : memref<8x128x4xf32, #tpu.memory_space<vmem>>, vector<1x128x1xf32>
    %get3A_1023 = vector.shape_cast %get3A_1022 : vector<1x128x1xf32> to vector<128x1xf32>
    %get3A_1024 = arith.constant 7 : index
    %get3A_1025 = arith.constant 0 : index
    %get3A_1026 = arith.constant 2 : index
    %get3A_1027 = vector.load %arg1[%get3A_1024, %get3A_1025, %get3A_1026] : memref<8x128x4xf32, #tpu.memory_space<vmem>>, vector<1x128x1xf32>
    %get3A_1028 = vector.shape_cast %get3A_1027 : vector<1x128x1xf32> to vector<128x1xf32>
    %get3A_1029 = arith.constant 7 : index
    %get3A_1030 = arith.constant 0 : index
    %get3A_1031 = arith.constant 3 : index
    %get3A_1032 = vector.load %arg1[%get3A_1029, %get3A_1030, %get3A_1031] : memref<8x128x4xf32, #tpu.memory_space<vmem>>, vector<1x128x1xf32>
    %get3A_1033 = vector.shape_cast %get3A_1032 : vector<1x128x1xf32> to vector<128x1xf32>
    %get3A_1034 = arith.constant 0 : index
    %get3A_1035 = arith.constant 0 : index
    %get3A_1036 = vector.load %arg2[%get3A_1034, %get3A_1035] : memref<5x1384xf32, #tpu.memory_space<vmem>>, vector<1x1384xf32>
    %get3A_1037 = arith.constant 1 : index
    %get3A_1038 = arith.constant 0 : index
    %get3A_1039 = vector.load %arg2[%get3A_1037, %get3A_1038] : memref<5x1384xf32, #tpu.memory_space<vmem>>, vector<1x1384xf32>
    %get3A_1040 = arith.constant 2 : index
    %get3A_1041 = arith.constant 0 : index
    %get3A_1042 = vector.load %arg2[%get3A_1040, %get3A_1041] : memref<5x1384xf32, #tpu.memory_space<vmem>>, vector<1x1384xf32>
    %get3A_1043 = arith.constant 3 : index
    %get3A_1044 = arith.constant 0 : index
    %get3A_1045 = vector.load %arg2[%get3A_1043, %get3A_1044] : memref<5x1384xf32, #tpu.memory_space<vmem>>, vector<1x1384xf32>
    %get3A_1046 = arith.constant 4 : index
    %get3A_1047 = arith.constant 0 : index
    %get3A_1048 = vector.load %arg2[%get3A_1046, %get3A_1047] : memref<5x1384xf32, #tpu.memory_space<vmem>>, vector<1x1384xf32>
    %min3A_1049 = vector.broadcast %get3A_1042 : vector<1x1384xf32> to vector<128x1384xf32>
    %min3A_1050 = vector.broadcast %get3A_1028 : vector<128x1xf32> to vector<128x1384xf32>
    %min3A_1051 = arith.minimumf %min3A_1049, %min3A_1050 : vector<128x1384xf32>
    %max3A_1052 = vector.broadcast %get3A_1036 : vector<1x1384xf32> to vector<128x1384xf32>
    %max3A_1053 = vector.broadcast %get3A_1018 : vector<128x1xf32> to vector<128x1384xf32>
    %max3A_1054 = arith.maximumf %max3A_1052, %max3A_1053 : vector<128x1384xf32>
    %sub3A_1055 = arith.subf %min3A_1051, %max3A_1054 : vector<128x1384xf32>
    %max3A_1056 = arith.constant 0.000000e+00 : f32
    %max3A_1057 = vector.broadcast %max3A_1056 : f32 to vector<128x1384xf32>
    %max3A_1058 = arith.maximumf %sub3A_1055, %max3A_1057 : vector<128x1384xf32>
    %min3A_1059 = vector.broadcast %get3A_1045 : vector<1x1384xf32> to vector<128x1384xf32>
    %min3A_1060 = vector.broadcast %get3A_1033 : vector<128x1xf32> to vector<128x1384xf32>
    %min3A_1061 = arith.minimumf %min3A_1059, %min3A_1060 : vector<128x1384xf32>
    %max3A_1062 = vector.broadcast %get3A_1039 : vector<1x1384xf32> to vector<128x1384xf32>
    %max3A_1063 = vector.broadcast %get3A_1023 : vector<128x1xf32> to vector<128x1384xf32>
    %max3A_1064 = arith.maximumf %max3A_1062, %max3A_1063 : vector<128x1384xf32>
    %sub3A_1065 = arith.subf %min3A_1061, %max3A_1064 : vector<128x1384xf32>
    %max3A_1066 = arith.constant 0.000000e+00 : f32
    %max3A_1067 = vector.broadcast %max3A_1066 : f32 to vector<128x1384xf32>
    %max3A_1068 = arith.maximumf %sub3A_1065, %max3A_1067 : vector<128x1384xf32>
    %mul3A_1069 = arith.mulf %max3A_1058, %max3A_1068 : vector<128x1384xf32>
    %sub3A_1070 = arith.subf %get3A_1028, %get3A_1018 : vector<128x1xf32>
    %sub3A_1071 = arith.subf %get3A_1033, %get3A_1023 : vector<128x1xf32>
    %mul3A_1072 = arith.mulf %sub3A_1070, %sub3A_1071 : vector<128x1xf32>
    %add3A_1073 = vector.broadcast %get3A_1048 : vector<1x1384xf32> to vector<128x1384xf32>
    %add3A_1074 = vector.broadcast %mul3A_1072 : vector<128x1xf32> to vector<128x1384xf32>
    %add3A_1075 = arith.addf %add3A_1073, %add3A_1074 : vector<128x1384xf32>
    %sub3A_1076 = arith.subf %add3A_1075, %mul3A_1069 : vector<128x1384xf32>
    %add3A_1077 = arith.constant 9.99999974E-5 : f32
    %add3A_1078 = vector.broadcast %add3A_1077 : f32 to vector<128x1384xf32>
    %add3A_1079 = arith.addf %sub3A_1076, %add3A_1078 : vector<128x1384xf32>
    %div3A_1080 = arith.divf %mul3A_1069, %add3A_1079 : vector<128x1384xf32>
    %mul3A_1081 = arith.constant 1.000000e+04 : f32
    %mul3A_1082 = vector.broadcast %mul3A_1081 : f32 to vector<128x1384xf32>
    %mul3A_1083 = arith.mulf %div3A_1080, %mul3A_1082 : vector<128x1384xf32>
    %round3A_1084 = math.roundeven %mul3A_1083 : vector<128x1384xf32>
    %mul3A_1085 = arith.constant 1.280000e+02 : f32
    %mul3A_1086 = vector.broadcast %mul3A_1085 : f32 to vector<128x1384xf32>
    %mul3A_1087 = arith.mulf %round3A_1084, %mul3A_1086 : vector<128x1384xf32>
    %get3A_1088 = arith.constant 0 : index
    %get3A_1089 = arith.constant 0 : index
    %get3A_1090 = vector.load %arg3[%get3A_1088, %get3A_1089] : memref<128x1384xf32, #tpu.memory_space<vmem>>, vector<128x1384xf32>
    %add3A_1091 = arith.addf %mul3A_1087, %get3A_1090 : vector<128x1384xf32>
    %reduce_max3A_1092 = arith.constant dense<0xFF800000> : vector<1384xf32>
    %reduce_max3A_1093 = vector.multi_reduction <maximumf>, %add3A_1091, %reduce_max3A_1092 [0] : vector<128x1384xf32> to vector<1384xf32>
    %broadcast_in_dim3A_1094 = vector.shape_cast %reduce_max3A_1093 : vector<1384xf32> to vector<1x1384xf32>
    %reduce_max3A_1095 = arith.constant dense<0xFF800000> : vector<128xf32>
    %reduce_max3A_1096 = vector.multi_reduction <maximumf>, %round3A_1084, %reduce_max3A_1095 [1] : vector<128x1384xf32> to vector<128xf32>
    %broadcast_in_dim3A_1097 = vector.shape_cast %reduce_max3A_1096 : vector<128xf32> to vector<128x1xf32>
    %gt3A_1098 = arith.constant 1.000000e+02 : f32
    %gt3A_1099 = vector.broadcast %gt3A_1098 : f32 to vector<128x1xf32>
    %gt3A_1100 = arith.cmpf ogt, %broadcast_in_dim3A_1097, %gt3A_1099 : vector<128x1xf32>
    %jit3A_1101 = arith.constant -1.000000e+00 : f32
    %broadcast_in_dim3A_1102 = vector.broadcast %jit3A_1101 : f32 to vector<128x1xf32>
    %select_n3A_1103 = arith.select %gt3A_1100, %broadcast_in_dim3A_1097, %broadcast_in_dim3A_1102 : vector<128x1xi1>, vector<128x1xf32>
    %eq3A_1104 = vector.broadcast %select_n3A_1103 : vector<128x1xf32> to vector<128x1384xf32>
    %eq3A_1105 = arith.cmpf oeq, %round3A_1084, %eq3A_1104 : vector<128x1384xf32>
    %reduce_or3A_1106 = arith.constant 1.000000e+00 : f32
    %reduce_or3A_1107 = arith.constant 0.000000e+00 : f32
    %reduce_or3A_1108 = vector.broadcast %reduce_or3A_1106 : f32 to vector<128x1384xf32>
    %reduce_or3A_1109 = vector.broadcast %reduce_or3A_1107 : f32 to vector<128x1384xf32>
    %reduce_or3A_1110 = arith.select %eq3A_1105, %reduce_or3A_1108, %reduce_or3A_1109 : vector<128x1384xi1>, vector<128x1384xf32>
    %reduce_or3A_1111 = arith.constant dense<0xFF800000> : vector<1384xf32>
    %reduce_or3A_1112 = vector.multi_reduction <maximumf>, %reduce_or3A_1110, %reduce_or3A_1111 [0] : vector<128x1384xf32> to vector<1384xf32>
    %reduce_or3A_1113 = arith.constant 0.000000e+00 : f32
    %reduce_or3A_1114 = vector.broadcast %reduce_or3A_1113 : f32 to vector<1384xf32>
    %reduce_or3A_1115 = arith.cmpf ogt, %reduce_or3A_1112, %reduce_or3A_1114 : vector<1384xf32>
    %broadcast_in_dim3A_1116 = vector.shape_cast %reduce_or3A_1115 : vector<1384xi1> to vector<1x1384xi1>
    %ge3A_1117 = arith.constant 6.400000e+05 : f32
    %ge3A_1118 = vector.broadcast %ge3A_1117 : f32 to vector<1x1384xf32>
    %ge3A_1119 = arith.cmpf oge, %broadcast_in_dim3A_1094, %ge3A_1118 : vector<1x1384xf32>
    %or3A_1120 = arith.ori %ge3A_1119, %broadcast_in_dim3A_1116 : vector<1x1384xi1>
    %lt3A_1121 = arith.constant 3.840000e+05 : f32
    %lt3A_1122 = vector.broadcast %lt3A_1121 : f32 to vector<1x1384xf32>
    %lt3A_1123 = arith.cmpf olt, %broadcast_in_dim3A_1094, %lt3A_1122 : vector<1x1384xf32>
    %not3A_1124 = arith.constant dense<true> : vector<1x1384xi1>
    %not3A_1125 = arith.xori %or3A_1120, %not3A_1124 : vector<1x1384xi1>
    %and3A_1126 = arith.andi %lt3A_1123, %not3A_1125 : vector<1x1384xi1>
    %jit3A_1127 = arith.constant 0.000000e+00 : f32
    %jit3A_1128 = arith.constant -1.000000e+00 : f32
    %broadcast_in_dim3A_1129 = vector.broadcast %jit3A_1127 : f32 to vector<1x1384xf32>
    %broadcast_in_dim3A_1130 = vector.broadcast %jit3A_1128 : f32 to vector<1x1384xf32>
    %select_n3A_1131 = arith.select %and3A_1126, %broadcast_in_dim3A_1129, %broadcast_in_dim3A_1130 : vector<1x1384xi1>, vector<1x1384xf32>
    %jit3A_1132 = arith.constant 1.000000e+00 : f32
    %broadcast_in_dim3A_1133 = vector.broadcast %jit3A_1132 : f32 to vector<1x1384xf32>
    %select_n3A_1134 = arith.select %or3A_1120, %broadcast_in_dim3A_1133, %select_n3A_1131 : vector<1x1384xi1>, vector<1x1384xf32>
    %swap3A_1135 = arith.constant 7 : index
    %swap3A_1136 = arith.constant 0 : index
    %swap3A_1137 = arith.constant 0 : index
    %swap3A_1138 = vector.load %arg5[%swap3A_1135, %swap3A_1136, %swap3A_1137] : memref<8x1x1384xf32, #tpu.memory_space<vmem>>, vector<1x1x1384xf32>
    %swap3A_1139 = vector.shape_cast %swap3A_1138 : vector<1x1x1384xf32> to vector<1x1384xf32>
    %swap3A_1140 = vector.shape_cast %select_n3A_1134 : vector<1x1384xf32> to vector<1x1x1384xf32>
    tpu.vector_store %arg5[%swap3A_1135, %swap3A_1136, %swap3A_1137], %swap3A_1140 {strides = array<i32>} : memref<8x1x1384xf32, #tpu.memory_space<vmem>>, vector<1x1x1384xf32>,
    %convert_element_type3A_1141 = arith.fptosi %broadcast_in_dim3A_1094 : vector<1x1384xf32> to vector<1x1384xi32>
    %mul3A_1142 = arith.constant 8 : i32
    %mul3A_1143 = arith.muli %arg0, %mul3A_1142 : i32
    %add3A_1144 = arith.constant 7 : i32
    %add3A_1145 = arith.addi %mul3A_1143, %add3A_1144 : i32
    %and3A_1146 = arith.constant 127 : i32
    %and3A_1147 = vector.broadcast %and3A_1146 : i32 to vector<1x1384xi32>
    %and3A_1148 = arith.andi %convert_element_type3A_1141, %and3A_1147 : vector<1x1384xi32>
    %sub3A_1149 = arith.constant 127 : i32
    %sub3A_1150 = vector.broadcast %sub3A_1149 : i32 to vector<1x1384xi32>
    %sub3A_1151 = arith.subi %sub3A_1150, %and3A_1148 : vector<1x1384xi32>
    %mul3A_1152 = arith.constant 128 : i32
    %mul3A_1153 = arith.muli %add3A_1145, %mul3A_1152 : i32
    %add3A_1154 = vector.broadcast %mul3A_1153 : i32 to vector<1x1384xi32>
    %add3A_1155 = arith.addi %sub3A_1151, %add3A_1154 : vector<1x1384xi32>
    %swap3A_1156 = arith.constant 7 : index
    %swap3A_1157 = arith.constant 0 : index
    %swap3A_1158 = arith.constant 0 : index
    %swap3A_1159 = vector.load %arg4[%swap3A_1156, %swap3A_1157, %swap3A_1158] : memref<8x1x1384xi32, #tpu.memory_space<vmem>>, vector<1x1x1384xi32>
    %swap3A_1160 = vector.shape_cast %swap3A_1159 : vector<1x1x1384xi32> to vector<1x1384xi32>
    %swap3A_1161 = vector.shape_cast %add3A_1155 : vector<1x1384xi32> to vector<1x1x1384xi32>
    tpu.vector_store %arg4[%swap3A_1156, %swap3A_1157, %swap3A_1158], %swap3A_1161 {strides = array<i32>} : memref<8x1x1384xi32, #tpu.memory_space<vmem>>, vector<1x1x1384xi32>,
    return
  }
  func.func @transform_0(%arg0: i32) -> (i32, i32, i32) {
    %c0_i32 = arith.constant 0 : i32
    %c0_i32_0 = arith.constant 0 : i32
    %c0_i32_1 = arith.constant 0 : i32
    return %arg0, %c0_i32, %c0_i32_0 : i32, i32, i32
  }
  func.func @transform_1(%arg0: i32) -> (i32, i32) {
    %c0_i32 = arith.constant 0 : i32
    %c0_i32_0 = arith.constant 0 : i32
    %c0_i32_1 = arith.constant 0 : i32
    return %c0_i32, %c0_i32_0 : i32, i32
  }
  func.func @transform_2(%arg0: i32) -> (i32, i32) {
    %c0_i32 = arith.constant 0 : i32
    %c0_i32_0 = arith.constant 0 : i32
    %c0_i32_1 = arith.constant 0 : i32
    return %c0_i32, %c0_i32_0 : i32, i32
  }
  func.func @transform_3(%arg0: i32) -> (i32, i32, i32) {
    %c0_i32 = arith.constant 0 : i32
    %c0_i32_0 = arith.constant 0 : i32
    %c0_i32_1 = arith.constant 0 : i32
    return %arg0, %c0_i32, %c0_i32_0 : i32, i32, i32
  }
  func.func @transform_4(%arg0: i32) -> (i32, i32, i32) {
    %c0_i32 = arith.constant 0 : i32
    %c0_i32_0 = arith.constant 0 : i32
    %c0_i32_1 = arith.constant 0 : i32
    return %arg0, %c0_i32, %c0_i32_0 : i32, i32, i32
  }
}

</mosaic_0001>

<sc_bundles>
// kernel: kernel.4.cloned.1.call-start
scs
__scs_entry_jumppad:
0x0: {  	(pc) =	sbr.rel $0x88, $3  }
0x1: {  	(tag) =	ssettag $0x0;
	lr =	simm.s32 $0x1  }
0x2: {  	[smem:$0x3FA0] =	sst lr;
	_ =	strace $0xD0000000  }
0x3: {  	_ = 	snop  }
0x4: {  	_ = 	snop  }
0x5: {  	_ = 	snop  }
0x6: {  	_ = 	snop  }
0x7: {  	_ = 	snop  }
__scs_overlays_trampoline_lowered:
0x8: {  	[smem:$0x3FAF] =	sst s0  }
0x9: {  	[smem:$0x3FB0] =	sst s1  }
0xa: {  	[smem:$0x3FB1] =	sst s2  }
0xb: {  	[smem:$0x3FB2] =	sst s3  }
0xc: {  	[smem:$0x3FB3] =	sst s4  }
0xd: {  	[smem:$0x3FB4] =	sst s5  }
0xe: {  	[smem:$0x3FB5] =	sst s6  }
0xf: {  	[smem:$0x3FB6] =	sst s7  }
0x10: {  	[smem:$0x3FB7] =	sst s8  }
0x11: {  	[smem:$0x3FB8] =	sst s9;
	s0 =	simm.s32 @!p0 $0x0  }
0x12: {  	s1 =	sld [smem:$0x3F9E];
	s0 =	simm.s32 @p0 $0x1  }
0x13: {  	[smem:$0x3FB9] =	sst s0;
	s0 =	simm.s32 @!p1 $0x0  }
0x14: {  	s2 =	sld [smem:$0x3F9D];
	s0 =	simm.s32 @p1 $0x1  }
0x15: {  	[smem:$0x3FBA] =	sst s0;
	s0 =	simm.s32 @!p2 $0x0  }
0x16: {  	s3 =	sld [smem:$0x3FDB];
	s0 =	simm.s32 @p2 $0x1  }
0x17: {  	s4 =	simm.s32 $0x1BF5;
	[smem:$0x3FBC] =	sst s0  }
0x18: {  	s0 =	sld [smem:$0x3F9F];
	_ =	swait.ge [sflag:s4], $0x0  }
0x19: {  	s7 =	sld [smem:$0x3FA0]  }
0x1a: {  	s8 =	sadd.s32 $0xFFFFE003, lr  }
0x1b: {  	s9 =	sadd.s32 $0xFFFFFEF7, lr;
	s5 =	simm.s32 $0xFFFFFFFF;
	p2 =	slt.u32 s8, $0xFFFFF086  }
0x1c: {  	p1 =	slt.u32 s9, $0xF7A;
	s5 =	simm.s32 @!p2 $0x0  }
0x1d: {  	s5 =	simm.s32 @p1 $0x1;
	p0 =	seq.s32 s7, s2  }
0x1e: {  	s7 =	smul.u32 @!p0 $0xF7A, s2;
	p2 =	seq.s32 @!p0 s5, $0x0  }
0x1f: {  	s9 =	smul.u32 $0xF7A, s1;
	s8 =	simm.s32 @!p0 $0x1BF5;
	p2 =	por !p2, p0  }
0x20: {  	[sflag:s8] =	ssyncset.s32 @!p0 $0xFFFFF086;
	s6 =	sadd.s32 @!p0 s3, s7;
	s7 =	simm.s32 @!p0 $0x108  }
0x21: {  	s3 =	sadd.s32 s3, s9;
	s6 =	sadd.s32 @!p0 $0x88, s6;
	s7 =	simm.s32 @p2 $0x1082  }
0x22: {  	[simem:s7], [sflag:s8] =	dma.local @!p0 [hbm:s6], $0xF7A  }
0x23: {  	s9 =	sor.u32 $0xD0000000, s2;
	s6 =	simm.s32 $0x108;
	_ =	swait.ge @!p0 [sflag:s8], $0x0  }
0x24: {  	s3 =	sadd.s32 $0x88, s3;
	s6 =	simm.s32 @!p1 $0x1082;
	[sflag:s4] =	ssyncset.s32 $0xFFFFF086  }
0x25: {  	[simem:s6], [sflag:s4] =	dma.local [hbm:s3], $0xF7A  }
0x26: {  	[smem:$0x3FA0] =	sst s1;
	(tag) =	ssettag s2;
	_ =	strace s9  }
0x27: {  	s1 =	sld [smem:$0x3FB0]  }
0x28: {  	s2 =	sld [smem:$0x3FB1]  }
0x29: {  	s4 =	sld [smem:$0x3FB3]  }
0x2a: {  	p0 =	seq.s32 s5, $0x0;
	s5 =	sld [smem:$0x3FB4]  }
0x2b: {  	s6 =	sld [smem:$0x3FB5]  }
0x2c: {  	s7 =	sld [smem:$0x3FB6]  }
0x2d: {  	s3 =	simm.s32 $0x108;
	s8 =	sld [smem:$0x3FB7]  }
0x2e: {  	s3 =	simm.s32 @!p0 $0x1082;
	s9 =	sld [smem:$0x3FB8]  }
0x2f: {  	lr =	sadd.s32 s0, s3;
	s0 =	sld [smem:$0x3FAF]  }
0x30: {  	s3 =	sld [smem:$0x3FB2]  }
0x31: {  	[smem:$0x3FBB] =	sst s10  }
0x32: {  	s10 =	sld [smem:$0x3FB9];
	_ =	sdelay $0x3  }
0x33: {  	p0 =	seq.s32 s10, $0x1;
	s10 =	sld [smem:$0x3FBB];
	_ =	sdelay $0x3  }
0x34: {  	[smem:$0x3FBB] =	sst s10  }
0x35: {  	s10 =	sld [smem:$0x3FBA];
	_ =	sdelay $0x3  }
0x36: {  	p1 =	seq.s32 s10, $0x1;
	s10 =	sld [smem:$0x3FBB];
	_ =	sdelay $0x3  }
0x37: {  	[smem:$0x3FBB] =	sst s10  }
0x38: {  	s10 =	sld [smem:$0x3FBC]  }
0x39: {  	_ = 	snop;
	(pc) =	sbr.ind lr, $3  }
0x3a: {  	_ = 	snop  }
0x3b: {  	_ = 	snop  }
0x3c: {  	p2 =	seq.s32 s10, $0x1;
	s10 =	sld [smem:$0x3FBB]  }
0x3d: {  	_ =	shalt  }
0x3e: {  	_ =	shalt  }
0x3f: {  	_ =	shalt  }
0x40: {  	_ =	shalt  }
0x41: {  	_ =	shalt  }
0x42: {  	_ =	shalt  }
0x43: {  	_ =	shalt  }
0x44: {  	_ =	shalt  }
0x45: {  	_ =	shalt  }
0x46: {  	_ =	shalt  }
0x47: {  	_ =	shalt  }
0x48: {  	_ =	shalt  }
0x49: {  	_ =	shalt  }
0x4a: {  	_ =	shalt  }
0x4b: {  	_ =	shalt  }
0x4c: {  	_ =	shalt  }
0x4d: {  	_ =	shalt  }
0x4e: {  	_ =	shalt  }
0x4f: {  	_ =	shalt  }
0x50: {  	_ =	shalt  }
0x51: {  	_ =	shalt  }
0x52: {  	_ =	shalt  }
0x53: {  	_ =	shalt  }
0x54: {  	_ =	shalt  }
0x55: {  	_ =	shalt  }
0x56: {  	_ =	shalt  }
0x57: {  	_ =	shalt  }
0x58: {  	_ =	shalt  }
0x59: {  	_ =	shalt  }
0x5a: {  	_ =	shalt  }
0x5b: {  	_ =	shalt  }
0x5c: {  	_ =	shalt  }
0x5d: {  	_ =	shalt  }
0x5e: {  	_ =	shalt  }
0x5f: {  	_ =	shalt  }
0x60: {  	_ =	shalt  }
0x61: {  	_ =	shalt  }
0x62: {  	_ =	shalt  }
0x63: {  	_ =	shalt  }
0x64: {  	_ =	shalt  }
0x65: {  	_ =	shalt  }
0x66: {  	_ =	shalt  }
0x67: {  	_ =	shalt  }
0x68: {  	_ =	shalt  }
0x69: {  	_ =	shalt  }
0x6a: {  	_ =	shalt  }
0x6b: {  	_ =	shalt  }
0x6c: {  	_ =	shalt  }
0x6d: {  	_ =	shalt  }
0x6e: {  	_ =	shalt  }
0x6f: {  	_ =	shalt  }
0x70: {  	_ =	shalt  }
0x71: {  	_ =	shalt  }
0x72: {  	_ =	shalt  }
0x73: {  	_ =	shalt  }
0x74: {  	_ =	shalt  }
0x75: {  	_ =	shalt  }
0x76: {  	_ =	shalt  }
0x77: {  	_ =	shalt  }
0x78: {  	_ =	shalt  }
0x79: {  	_ =	shalt  }
0x7a: {  	_ =	shalt  }
0x7b: {  	_ =	shalt  }
0x7c: {  	_ =	shalt  }
0x7d: {  	_ =	shalt  }
0x7e: {  	_ =	shalt  }
0x7f: {  	_ =	shalt  }
0x80: {  	_ =	shalt  }
0x81: {  	_ =	shalt  }
0x82: {  	_ =	shalt  }
0x83: {  	_ =	shalt  }
0x84: {  	_ =	shalt  }
0x85: {  	_ =	shalt  }
0x86: {  	_ =	shalt  }
0x87: {  	_ =	shalt  }
.Lfunc_end0:
.L_simem_size_0:
called_computation_lowered:
.L_overlay_start_0:
0x88: {  	s2 =	sld [smem:$0x3FD9]  }
0x89: {  	s3 =	sld [smem:$0x3FFE];
	_ =	sdelay $0x1  }
0x8a: {  	s1 =	srdreg.scid  }
0x8b: {  	s0 =	sand.u32 $0x1, s1  }
0x8c: {  	s14 =	sshll.u32 s0, $0xA;
	s2 =	sadd.s32 s3, s2  }
0x8d: {  	s2 =	sadd.s32 s2, s14  }
0x8e: {  	[smem:$0x3FC7] =	sst s2  }
0x8f: {  	_ = 	snop  }
0x90: {  	s2 =	sld [smem:$0x3FD0];
	_ =	sdelay $0x2  }
0x91: {  	s15 =	simm.s32 $0xA;
	s4 =	simm.s32 $0x10  }
0x92: {  	[smem:s4], [sflag:s15] =	dma.local [hbm:s2], $0x1  }
0x93: {  	_ =	swait.eq [sflag:s15], $0x1  }
0x94: {  	[sflag:s15] =	ssyncset.done $0x0  }
0x95: {  	[sflag:s15] =	ssyncadd.s32 $0xFFFFFFFF  }
0x96: {  	s16 =	sld [smem:$0x10];
	(tm) =	ssettm $0x1  }
0x97: {  	s17 =	sld [smem:$0x3FFB];
	_ =	sdelay $0x3  }
0x98: {  	_ =	strace s17  }
0x99: {  	s3 =	sld [smem:$0x3FFC];
	_ =	sdelay $0x3  }
0x9a: {  	_ =	strace s3  }
0x9b: {  	s3 =	sld [smem:$0x3FFD];
	_ =	sdelay $0x3  }
0x9c: {  	_ =	strace s3  }
0x9d: {  	_ =	strace $0x8FFFFFFF  }
0x9e: {  	s18 =	sld [smem:$0x3FDB];
	_ =	sdelay $0x1  }
0x9f: {  	s19 =	simm.s32 $_scs_section_size  }
0xa0: {  	s5 =	simm.s32 $_size__tile_overlayer_lowered;
	s6 =	simm.s32 $_tile_overlayer_lowered  }
0xa1: {  	s22 =	simm.s32 $0x1BFF;
	s21 =	sshll.u32 s6, $0x1;
	s3 =	sadd.s32 s19, s18  }
0xa2: {  	s7 =	simm.s32 $0x0;
	s20 =	sshll.u32 s5, $0x1;
	s5 =	sadd.s32 s21, s3  }
0xa3: {  	[timem:s7], [sflag:s22] =	dma.local [hbm:s5], s20  }
0xa4: {  	_ =	swait.ge [sflag:s22], s20  }
0xa5: {  	s4 =	ssub.s32 $0x0, s20;
	[sflag:s22] =	ssyncset.done $0x0  }
0xa6: {  	[sflag:s22] =	ssyncadd.s32 s4;
	_ =	sdelay $0x1  }
0xa7: {  	s23 =	simm.s32 $0x1B8B  }
0xa8: {  	_ =	swait.ge [sflag:s23], $0x1  }
0xa9: {  	[sflag:s23] =	ssyncset.done $0x0  }
0xaa: {  	s25 =	simm.s32 $0x1B8E;
	s24 =	sld [smem:$0x3FFE];
	[sflag:s23] =	ssyncadd.s32 $0xFFFFFFFF  }
0xab: {  	s26 =	simm.s32 $execute0_lowered;
	[smem:$0x3FD2] =	sst s25  }
0xac: {  	s5 =	sshll.u32 s26, $0x1;
	_ =	strace $0x80000046;
	[dreg:$0x1] =	wrdreg $0xFFFFFFFF  }
0xad: {  	s28 =	simm.s32 $_size_execute0_lowered;
	s3 =	sadd.s32 s3, s5;
	[dreg:$0x0] =	wrdreg $0x0  }
0xae: {  	s5 =	sshll.u32 s28, $0x1;
	[dreg:$0x2] =	wrdreg s3  }
0xaf: {  	[dreg:$0x3] =	wrdreg s5  }
0xb0: {  	[dreg:$0x4] =	wrdreg $0xC0  }
0xb1: {  	_ =	task [dreg:s7], $0x5FFFF  }
0xb2: {  	[dreg:$0x1] =	wrdreg $0xFFFFFFFF  }
0xb3: {  	[dreg:$0x0] =	wrdreg $0x60  }
0xb4: {  	[dreg:$0x2] =	wrdreg s24  }
0xb5: {  	[dreg:$0x3] =	wrdreg s16  }
0xb6: {  	[dreg:$0x4] =	wrdreg $0x9  }
0xb7: {  	_ =	task.clear_ibuf [dreg:s7], $0x5FFFF;
	_ =	strace $0x90000046  }
0xb8: {  	s29 =	simm.s32 $0x9;
	_ =	strace $0x80000048  }
0xb9: {  	_ =	swait.ge [sflag:s29], $0x1  }
0xba: {  	[sflag:s29] =	ssyncadd.s32 $0xFFFFFFFF  }
0xbb: {  	_ =	strace $0x90000048  }
0xbc: {  	_ =	sfence  }
0xbd: {  	s30 =	sld [smem:$0x0];
	_ =	sdelay $0x2  }
0xbe: {  	s31 =	sshll.u32 s1, $0xD;
	s1 =	sshrl.u32 s1, $0x2  }
0xbf: {  	s3 =	sand.u32 $0x4000, s31;
	s1 =	sadd.s32 s1, s30  }
0xc0: {  	s0 =	sor.u32 s3, s0;
	s1 =	sshll.u32 s1, $0x11  }
0xc1: {  	s0 =	sor.u32 s1, s0  }
0xc2: {  	s0 =	sadd.s32 $0x8F2B, s0  }
0xc3: {  	[sflag:s0] =	ssyncadd.remote.s32 $0x1  }
0xc4: {  	_ =	sfence.sel $0xFFFF  }
0xc5: {  	[dreg:$0x0] =	wrdreg $0xFFFFFFFF;
	(pc) =	sbr.abs _section_cstart, $3  }
0xc6: {  	[dreg:$0x1] =	wrdreg $0xFFFFFFFF  }
0xc7: {  	_ =	task.clear_ibuf [dreg:s7], $0x2FFFF;
	_ =	strace $0x9FFFFFFF  }
0xc8: {  	(tm) =	ssettm $0x7FFFFFFF  }
0xc9: {  	_ =	shalt  }
tec
execute0_lowered:
.L_overlay_start_1:
0x0: {  	(tag) =	ssettag $0x1  }
0x1: {  	s4 =	rddreg [dreg:$0x0];
	s1 =	srdreg.scid  }
0x2: {  	s0 =	stileid.u32;
	s5 =	rddreg [dreg:$0x1];
	s2 =	simm.s32 $0x0  }
0x3: {  	s14 =	simm.s32 $0x1;
	s15 =	simm.s32 $0x8000;
	s16 =	simm.s32 $0x8B00  }
0x4: {  	s17 =	simm.s32 $0x9600;
	s18 =	simm.s32 $0xA100;
	s19 =	simm.s32 $0xAC00  }
0x5: {  	s20 =	simm.s32 $0xB700;
	s21 =	simm.s32 $0xC200;
	s22 =	simm.s32 $0xCD00  }
0x6: {  	s23 =	simm.s32 $0xD800;
	s3 =	sand.u32 $0x1, s1;
	s6 =	sshll.u32 s0, $0x1  }
0x7: {  	s24 =	simm.s32 $0x0;
	s1 =	rddreg [dreg:$0x2];
	s6 =	sor.u32 s3, s6  }
0x8: {  	[smem:$0x7FF] =	sst s2;
	s7 =	ssub.s32 $0x2, s3;
	s6 =	smul.u32 $0x15A, s6  }
0x9: {  	_ =	strace $0x80000047;
	s3 =	sadd.s32 $0x1600, s4;
	s8 =	sshrl.u32 s7, $0x1  }
0xa: {  	s13 =	ssub.s32 s7, s8;
	s12 =	sadd.s32 s6, s4;
	s4 =	sadd.s32 s5, s6  }
0xb: {  	s13 =	smax.u32 s13, $0x1;
	s5 =	sadd.s32 $0xAA00, s12;
	s6 =	sadd.s32 $0x7E00, s12  }
0xc: {  	s7 =	sadd.s32 $0x5200, s12;
	s8 =	sadd.s32 $0x2600, s12;
	s9 =	sadd.s32 $0x10200, s12  }
0xd: {  	v0 =	vimm.s32 $0xFFFFFF81;
	s10 =	sadd.s32 $0xD600, s12;
	s11 =	sadd.s32 $0x15A00, s12;
	s12 =	sadd.s32 $0x12E00, s12  }
.LBB2_1:
0xe: {  	[tilespmem:s2], [sflag:$0x1] =	stream.linear.gather [hbm4b:s3+s2], $0x8000, $0x38;
	[tilespmem:$0xE300] =	vst v63  }
0xf: {  	_ =	swait.ge [sflag:s14], $0x8000  }
0x10: {  	[sflag:s14] =	ssyncset.done $0x0  }
0x11: {  	[sflag:s14] =	ssyncadd.s32 $0xFFFF8000  }
0x12: {  	[tilespmem:s15], [sflag:$0x1] =	stream.linear.gather [hbm4b:s4+s2], $0xAD0, $0x38;
	[tilespmem:$0xE300] =	vst v63  }
0x13: {  	_ =	swait.ge [sflag:s14], $0xAD0  }
0x14: {  	[sflag:s14] =	ssyncset.done $0x0  }
0x15: {  	[sflag:s14] =	ssyncadd.s32 $0xFFFFF530  }
0x16: {  	[tilespmem:s16], [sflag:$0x1] =	stream.linear.gather [hbm4b:s5+s2], $0xAD0, $0x38;
	[tilespmem:$0xE300] =	vst v63  }
0x17: {  	_ =	swait.ge [sflag:s14], $0xAD0  }
0x18: {  	[sflag:s14] =	ssyncset.done $0x0  }
0x19: {  	[sflag:s14] =	ssyncadd.s32 $0xFFFFF530  }
0x1a: {  	[tilespmem:s17], [sflag:$0x1] =	stream.linear.gather [hbm4b:s6+s2], $0xAD0, $0x38;
	[tilespmem:$0xE300] =	vst v63  }
0x1b: {  	_ =	swait.ge [sflag:s14], $0xAD0  }
0x1c: {  	[sflag:s14] =	ssyncset.done $0x0  }
0x1d: {  	[sflag:s14] =	ssyncadd.s32 $0xFFFFF530  }
0x1e: {  	[tilespmem:s18], [sflag:$0x1] =	stream.linear.gather [hbm4b:s7+s2], $0xAD0, $0x38;
	[tilespmem:$0xE300] =	vst v63  }
0x1f: {  	_ =	swait.ge [sflag:s14], $0xAD0  }
0x20: {  	[sflag:s14] =	ssyncset.done $0x0  }
0x21: {  	[sflag:s14] =	ssyncadd.s32 $0xFFFFF530  }
0x22: {  	[tilespmem:s19], [sflag:$0x1] =	stream.linear.gather [hbm4b:s8+s2], $0xAD0, $0x38;
	[tilespmem:$0xE300] =	vst v63  }
0x23: {  	_ =	swait.ge [sflag:s14], $0xAD0  }
0x24: {  	[sflag:s14] =	ssyncset.done $0x0  }
0x25: {  	s25 =	simm.s32 $0x0;
	[sflag:s14] =	ssyncadd.s32 $0xFFFFF530  }
0x26: {  	v1 =	vld [tilespmem:s25+$0x8000];
	_ =	sdelay $0x3  }
0x27: {  	v2 =	vld [tilespmem:s25+$0x8B00]  }
0x28: {  	v1 =	vshll.u32 v1, $0x2  }
0x29: {  	v4 =	vld [tilespmem:s25+$0x9600];
	v3 =	vor.u32 $0x2, v1  }
0x2a: {  	v5 =	vor.u32 $0x3, v1  }
0x2b: {  	v6 =	vor.u32 $0x1, v1  }
0x2c: {  	(erf) = vrcp.f32 v2  }
0x2d: {  	v1 =	vld.idx.msk [tilespmem:v1+s2+$0x0], $0xffff  }
0x2e: {  	(erf) = vrcp.f32 v4;
	v2 =	vld.idx.msk [tilespmem:v3+s2+$0x0], $0xffff  }
0x2f: {  	v3 =	vld.idx.msk [tilespmem:v5+s2+$0x0], $0xffff  }
0x30: {  	v4 =	vld.idx.msk [tilespmem:v6+s2+$0x0], $0xffff;
	_ =	sdelay $0x2  }
0x31: {  	v2 =	vsub.f32 v2, v1;
	_ =	sdelay $0x1  }
0x32: {  	v6 =	vpop (erf);
	v3 =	vsub.f32 v3, v4;
	v5 =	vmax.f32 v2, $9.999999740e-05  }
0x33: {  	v5 =	vmul.f32 v6, v5  }
0x34: {  	v8 =	vpop (erf);
	v7 =	vmax.f32 v3, $9.999999740e-05  }
0x35: {  	v7 =	vmul.f32 v8, v7;
	v9 =	vand.u32 $0x7FFFFF, v5  }
0x36: {  	v9 =	vor.u32 $0x3F800000, v9  }
0x37: {  	v11 =	vand.u32 $0x7FFFFF, v7;
	v10 =	vmul.f32 $5.000000000e-01, v9  }
0x38: {  	v11 =	vor.u32 $0x3F800000, v11;
	vm1 =	vgt.f32 v9, $1.414213540e+00  }
0x39: {  	v9 =	vsel vm1, v10, v9;
	v10 =	vmul.f32 $5.000000000e-01, v11  }
0x3a: {  	vm0 =	vgt.f32 v11, $1.414213540e+00;
	v12 =	vadd.f32 $1.000000000e+00, v9  }
0x3b: {  	v10 =	vsel vm0, v10, v11  }
0x3c: {  	v11 =	vadd.f32 $1.000000000e+00, v10;
	(erf) = vrcp.f32 v12;
	_ =	sdelay $0x1  }
0x3d: {  	(erf) = vrcp.f32 v11;
	_ =	sdelay $0x5  }
0x3e: {  	v9 =	vadd.f32 $-1.000000000e+00, v9  }
0x3f: {  	v11 =	vpop (erf)  }
0x40: {  	v10 =	vadd.f32 $-1.000000000e+00, v10;
	v9 =	vmul.f32 v11, v9  }
0x41: {  	v11 =	vpop (erf)  }
0x42: {  	v63 =	vmul.f32 v9, v9;
	v10 =	vmul.f32 v11, v10;
	_ =	sdelay $0x1  }
0x43: {  	v11 =	vmul.f32 $1.818181870e-01, v63;
	v13 =	vmul.f32 v10, v10;
	_ =	sdelay $0x1  }
0x44: {  	v11 =	vadd.f32 $2.222222240e-01, v11;
	v14 =	vmul.f32 $1.818181870e-01, v13  }
0x45: {  	v15 =	vld [tilespmem:s25+$0xA100]  }
0x46: {  	v16 =	vld [tilespmem:s25+$0xAC00];
	v2 =	vmul.f32 $5.000000000e-01, v2;
	v11 =	vmul.f32 v11, v63;
	v14 =	vadd.f32 $2.222222240e-01, v14  }
0x47: {  	v3 =	vmul.f32 $5.000000000e-01, v3  }
0x48: {  	v1 =	vadd.f32 v2, v1;
	v11 =	vadd.f32 $2.857142980e-01, v11;
	v14 =	vmul.f32 v14, v13  }
0x49: {  	v3 =	vadd.f32 v3, v4  }
0x4a: {  	v1 =	vsub.f32 v1, v15;
	v2 =	vmul.f32 v11, v63;
	v11 =	vadd.f32 $2.857142980e-01, v14  }
0x4b: {  	v3 =	vsub.f32 v3, v16  }
0x4c: {  	v1 =	vmul.f32 v1, v6;
	v2 =	vadd.f32 $4.000000060e-01, v2;
	v4 =	vmul.f32 v11, v13  }
0x4d: {  	v3 =	vmul.f32 v3, v8  }
0x4e: {  	[tilespmem:s25+$0xB700] =	vst v1;
	v2 =	vmul.f32 v2, v63;
	v4 =	vadd.f32 $4.000000060e-01, v4  }
0x4f: {  	s28 =	simm.s32 $0x10;
	[tilespmem:s25+$0xC200] =	vst v3  }
0x50: {  	v6 =	vld [tilespmem:s28+$0x8000];
	v1 =	vadd.f32 $6.666666860e-01, v2;
	v2 =	vmul.f32 v4, v13  }
0x51: {  	v3 =	vshra.s32 v5, $0x17  }
0x52: {  	v4 =	vsel vm1, $0xFFFFFF82, v0;
	v1 =	vmul.f32 v1, v63;
	v2 =	vadd.f32 $6.666666860e-01, v2  }
0x53: {  	v5 =	vshra.s32 v7, $0x17;
	v3 =	vadd.s32 v3, v4  }
0x54: {  	v4 =	vsel vm0, $0xFFFFFF82, v0;
	v1 =	vadd.f32 $2.000000000e+00, v1;
	v2 =	vmul.f32 v2, v13  }
0x55: {  	v4 =	vadd.s32 v5, v4;
	v7 =	vcvt.s32.f32 v3;
	v3 =	vshll.u32 v6, $0x2  }
0x56: {  	v4 =	vcvt.s32.f32 v4;
	v5 =	vmul.f32 v1, v9;
	v9 =	vadd.f32 $2.000000000e+00, v2  }
0x57: {  	v6 =	vor.u32 $0x2, v3;
	v8 =	vmul.f32 $6.931471820e-01, v7;
	v1 =	vld [tilespmem:s28+$0x8B00]  }
0x58: {  	s26 =	simm.s32 $0x80;
	v7 =	vmul.f32 $6.931471820e-01, v4;
	v4 =	vor.u32 $0x1, v3;
	v2 =	vld [tilespmem:s28+$0x9600];
	v9 =	vmul.f32 v9, v10  }
.LBB2_2:
0x59: {  	p0 =	sne.s32 s26, $0x2B00;
	v10 =	vor.u32 $0x3, v3;
	v5 =	vadd.f32 v5, v8;
	s29 =	smov.u32 s26;
	s26 =	sadd.s32 $0x40, s26  }
0x5a: {  	v7 =	vadd.f32 v9, v7  }
0x5b: {  	[tilespmem:s25+$0xCD00] =	vst v5  }
0x5c: {  	[tilespmem:s25+$0xD800] =	vst v7;
	s25 =	smov.u32 s28  }
0x5d: {  	v5 =	vld.idx.msk [tilespmem:v6+s2+$0x0], $0xffff;
	(erf) = vrcp.f32 v1  }
0x5e: {  	v1 =	vld.idx.msk [tilespmem:v3+s2+$0x0], $0xffff  }
0x5f: {  	v3 =	vld.idx.msk [tilespmem:v10+s2+$0x0], $0xffff;
	(erf) = vrcp.f32 v2  }
0x60: {  	v2 =	vld.idx.msk [tilespmem:v4+s2+$0x0], $0xffff;
	_ =	sdelay $0x3  }
0x61: {  	v4 =	vsub.f32 v5, v1  }
0x62: {  	v5 =	vld [tilespmem:s25+$0xA100]  }
0x63: {  	v3 =	vsub.f32 v3, v2;
	v6 =	vmul.f32 $5.000000000e-01, v4;
	v4 =	vmax.f32 v4, $9.999999740e-05;
	v7 =	vpop (erf)  }
0x64: {  	v4 =	vmul.f32 v7, v4  }
0x65: {  	v1 =	vadd.f32 v6, v1;
	v6 =	vmul.f32 $5.000000000e-01, v3;
	v3 =	vmax.f32 v3, $9.999999740e-05;
	v8 =	vpop (erf)  }
0x66: {  	v9 =	vand.u32 $0x7FFFFF, v4;
	v3 =	vmul.f32 v8, v3  }
0x67: {  	v2 =	vadd.f32 v6, v2;
	v1 =	vsub.f32 v1, v5;
	v5 =	vor.u32 $0x3F800000, v9  }
0x68: {  	v6 =	vmul.f32 $5.000000000e-01, v5;
	v9 =	vshra.s32 v3, $0x17;
	v3 =	vand.u32 $0x7FFFFF, v3  }
0x69: {  	v4 =	vshra.s32 v4, $0x17;
	vm0 =	vgt.f32 v5, $1.414213540e+00;
	v10 =	vld [tilespmem:s25+$0xAC00];
	v3 =	vor.u32 $0x3F800000, v3  }
0x6a: {  	v5 =	vsel vm0, v6, v5;
	v6 =	vsel vm0, $0xFFFFFF82, v0;
	v11 =	vmul.f32 $5.000000000e-01, v3  }
0x6b: {  	vm0 =	vgt.f32 v3, $1.414213540e+00;
	v4 =	vadd.s32 v4, v6;
	v6 =	vadd.f32 $1.000000000e+00, v5  }
0x6c: {  	v4 =	vcvt.s32.f32 v4;
	v3 =	vsel vm0, v11, v3;
	v11 =	vsel vm0, $0xFFFFFF82, v0  }
0x6d: {  	v9 =	vadd.s32 v9, v11;
	v11 =	vadd.f32 $1.000000000e+00, v3;
	(erf) = vrcp.f32 v6  }
0x6e: {  	v1 =	vmul.f32 v1, v7;
	v2 =	vsub.f32 v2, v10;
	v6 =	vcvt.s32.f32 v9  }
0x6f: {  	(erf) = vrcp.f32 v11  }
0x70: {  	[tilespmem:s25+$0xB700] =	vst v1;
	v1 =	vmul.f32 v2, v8;
	_ =	sdelay $0x1  }
0x71: {  	[tilespmem:s25+$0xC200] =	vst v1;
	_ =	sdelay $0x2  }
0x72: {  	v1 =	vadd.f32 $-1.000000000e+00, v5  }
0x73: {  	v2 =	vpop (erf)  }
0x74: {  	v5 =	vmul.f32 v2, v1;
	v1 =	vadd.f32 $-1.000000000e+00, v3  }
0x75: {  	v2 =	vpop (erf)  }
0x76: {  	v3 =	vmul.f32 v5, v5;
	v9 =	vmul.f32 v2, v1;
	_ =	sdelay $0x1  }
0x77: {  	v1 =	vmul.f32 $1.818181870e-01, v3;
	v7 =	vmul.f32 v9, v9;
	_ =	sdelay $0x1  }
0x78: {  	v1 =	vadd.f32 $2.222222240e-01, v1;
	v2 =	vmul.f32 $1.818181870e-01, v7;
	_ =	sdelay $0x1  }
0x79: {  	v1 =	vmul.f32 v1, v3;
	v2 =	vadd.f32 $2.222222240e-01, v2;
	_ =	sdelay $0x1  }
0x7a: {  	v1 =	vadd.f32 $2.857142980e-01, v1;
	v2 =	vmul.f32 v2, v7;
	_ =	sdelay $0x1  }
0x7b: {  	v1 =	vmul.f32 v1, v3;
	v2 =	vadd.f32 $2.857142980e-01, v2;
	_ =	sdelay $0x1  }
0x7c: {  	v1 =	vadd.f32 $4.000000060e-01, v1;
	v2 =	vmul.f32 v2, v7;
	_ =	sdelay $0x1  }
0x7d: {  	v1 =	vmul.f32 v1, v3;
	v2 =	vadd.f32 $4.000000060e-01, v2;
	_ =	sdelay $0x1  }
0x7e: {  	v1 =	vadd.f32 $6.666666860e-01, v1;
	v2 =	vmul.f32 v2, v7  }
0x7f: {  	s28 =	sshra.s32 s29, $0x2  }
0x80: {  	v8 =	vld [tilespmem:s28+$0x8000];
	v3 =	vmul.f32 v1, v3;
	v10 =	vadd.f32 $6.666666860e-01, v2  }
0x81: {  	v1 =	vld [tilespmem:s28+$0x8B00]  }
.Ltmp0:
0x82: {  	v2 =	vld [tilespmem:s28+$0x9600];
	v3 =	vadd.f32 $2.000000000e+00, v3;
	v7 =	vmul.f32 v10, v7;
	(pc) =	sbr.rel @p0 .LBB2_2-.Ltmp0, $4  }
0x83: {  	_ = 	snop  }
0x84: {  	v5 =	vmul.f32 v3, v5;
	v10 =	vadd.f32 $2.000000000e+00, v7  }
0x85: {  	v7 =	vmul.f32 $6.931471820e-01, v6;
	v3 =	vshll.u32 v8, $0x2;
	v8 =	vmul.f32 $6.931471820e-01, v4  }
0x86: {  	v4 =	vor.u32 $0x1, v3;
	v6 =	vor.u32 $0x2, v3;
	v9 =	vmul.f32 v10, v9  }
0x87: {  	v5 =	vadd.f32 v5, v8  }
0x88: {  	v7 =	vadd.f32 v9, v7  }
0x89: {  	v51 =	vor.u32 $0x3, v3;
	[tilespmem:s25+$0xCD00] =	vst v5  }
0x8a: {  	[tilespmem:s25+$0xD800] =	vst v7  }
0x8b: {  	(erf) = vrcp.f32 v1;
	v5 =	vld.idx.msk [tilespmem:v6+s2+$0x0], $0xffff  }
0x8c: {  	(erf) = vrcp.f32 v2;
	v1 =	vld.idx.msk [tilespmem:v3+s2+$0x0], $0xffff  }
0x8d: {  	v3 =	vld.idx.msk [tilespmem:v4+s2+$0x0], $0xffff  }
0x8e: {  	v2 =	vld.idx.msk [tilespmem:v51+s2+$0x0], $0xffff;
	_ =	sdelay $0x3  }
0x8f: {  	v52 =	vsub.f32 v5, v1  }
0x90: {  	v2 =	vsub.f32 v2, v3  }
0x91: {  	v53 =	vpop (erf);
	v5 =	vmax.f32 v52, $9.999999740e-05  }
0x92: {  	v55 =	vpop (erf);
	v5 =	vmul.f32 v53, v5;
	v54 =	vmax.f32 v2, $9.999999740e-05  }
0x93: {  	v7 =	vmul.f32 v55, v54  }
0x94: {  	v56 =	vand.u32 $0x7FFFFF, v5  }
0x95: {  	v9 =	vor.u32 $0x3F800000, v56;
	v10 =	vand.u32 $0x7FFFFF, v7  }
0x96: {  	v11 =	vmul.f32 $5.000000000e-01, v9;
	v10 =	vor.u32 $0x3F800000, v10  }
0x97: {  	vm1 =	vgt.f32 v9, $1.414213540e+00;
	v12 =	vmul.f32 $5.000000000e-01, v10  }
0x98: {  	vm0 =	vgt.f32 v10, $1.414213540e+00;
	v9 =	vsel vm1, v11, v9  }
0x99: {  	v11 =	vadd.f32 $1.000000000e+00, v9;
	v10 =	vsel vm0, v12, v10  }
0x9a: {  	v12 =	vadd.f32 $1.000000000e+00, v10  }
0x9b: {  	(erf) = vrcp.f32 v11  }
0x9c: {  	(erf) = vrcp.f32 v12;
	_ =	sdelay $0x6  }
0x9d: {  	v9 =	vadd.f32 $-1.000000000e+00, v9  }
0x9e: {  	v10 =	vadd.f32 $-1.000000000e+00, v10;
	v11 =	vpop (erf)  }
0x9f: {  	v9 =	vmul.f32 v11, v9;
	v57 =	vpop (erf)  }
0xa0: {  	v10 =	vmul.f32 v57, v10  }
0xa1: {  	v58 =	vmul.f32 v9, v9  }
0xa2: {  	v59 =	vmul.f32 v10, v10  }
0xa3: {  	v13 =	vmul.f32 $1.818181870e-01, v58  }
0xa4: {  	v14 =	vmul.f32 $1.818181870e-01, v59  }
0xa5: {  	v13 =	vadd.f32 $2.222222240e-01, v13  }
0xa6: {  	v14 =	vadd.f32 $2.222222240e-01, v14  }
0xa7: {  	v13 =	vmul.f32 v13, v58  }
0xa8: {  	v14 =	vmul.f32 v14, v59  }
0xa9: {  	v13 =	vadd.f32 $2.857142980e-01, v13  }
0xaa: {  	v14 =	vadd.f32 $2.857142980e-01, v14  }
0xab: {  	v13 =	vmul.f32 v13, v58  }
0xac: {  	v15 =	vld [tilespmem:s28+$0xA100];
	v14 =	vmul.f32 v14, v59  }
0xad: {  	v16 =	vld [tilespmem:s28+$0xAC00];
	v4 =	vmul.f32 $5.000000000e-01, v52;
	v13 =	vadd.f32 $4.000000060e-01, v13  }
0xae: {  	v2 =	vmul.f32 $5.000000000e-01, v2;
	v14 =	vadd.f32 $4.000000060e-01, v14  }
0xaf: {  	v1 =	vadd.f32 v4, v1;
	v13 =	vmul.f32 v13, v58  }
0xb0: {  	v2 =	vadd.f32 v2, v3;
	v60 =	vmul.f32 v14, v59  }
0xb1: {  	v3 =	vshra.s32 v5, $0x17;
	v1 =	vsub.f32 v1, v15;
	v61 =	vadd.f32 $6.666666860e-01, v13  }
0xb2: {  	v7 =	vshra.s32 v7, $0x17;
	v2 =	vsub.f32 v2, v16;
	v4 =	vadd.f32 $6.666666860e-01, v60  }
0xb3: {  	v17 =	vsel vm1, $0xFFFFFF82, v0;
	v1 =	vmul.f32 v1, v53;
	v5 =	vmul.f32 v61, v58  }
0xb4: {  	v3 =	vadd.s32 v3, v17;
	v62 =	vsel vm0, $0xFFFFFF82, v0;
	v4 =	vmul.f32 v4, v59  }
0xb5: {  	v3 =	vcvt.s32.f32 v3;
	v7 =	vadd.s32 v7, v62;
	v5 =	vadd.f32 $2.000000000e+00, v5  }
0xb6: {  	v2 =	vmul.f32 v2, v55;
	v63 =	vcvt.s32.f32 v7;
	v4 =	vadd.f32 $2.000000000e+00, v4  }
0xb7: {  	v3 =	vmul.f32 $6.931471820e-01, v3;
	v5 =	vmul.f32 v5, v9  }
0xb8: {  	v6 =	vmul.f32 $6.931471820e-01, v63;
	v4 =	vmul.f32 v4, v10  }
0xb9: {  	[tilespmem:s28+$0xB700] =	vst v1;
	v1 =	vadd.f32 v5, v3  }
0xba: {  	[tilespmem:s28+$0xC200] =	vst v2;
	v2 =	vadd.f32 v4, v6  }
0xbb: {  	[tilespmem:s28+$0xCD00] =	vst v1  }
0xbc: {  	[tilespmem:s28+$0xD800] =	vst v2  }
0xbd: {  	[hbm4b:s9+s2] =	stream.linear.scatter [tilespmem:s20], [sflag:$0x1], $0xAD0, $0x38;
	[tilespmem:$0xE300] =	vst v63  }
0xbe: {  	_ =	swait.ge [sflag:s14], $0xAD0  }
0xbf: {  	[sflag:s14] =	ssyncset.done $0x0  }
0xc0: {  	[sflag:s14] =	ssyncadd.s32 $0xFFFFF530  }
0xc1: {  	[hbm4b:s10+s2] =	stream.linear.scatter [tilespmem:s21], [sflag:$0x1], $0xAD0, $0x38;
	[tilespmem:$0xE300] =	vst v63  }
0xc2: {  	_ =	swait.ge [sflag:s14], $0xAD0  }
0xc3: {  	[sflag:s14] =	ssyncset.done $0x0  }
0xc4: {  	[sflag:s14] =	ssyncadd.s32 $0xFFFFF530  }
0xc5: {  	[hbm4b:s11+s2] =	stream.linear.scatter [tilespmem:s22], [sflag:$0x1], $0xAD0, $0x38;
	[tilespmem:$0xE300] =	vst v63  }
0xc6: {  	s24 =	sadd.s32 $0x1, s24;
	_ =	swait.ge [sflag:s14], $0xAD0  }
0xc7: {  	p0 =	sne.s32 s24, s13;
	[sflag:s14] =	ssyncset.done $0x0  }
.Ltmp1:
0xc8: {  	[sflag:s14] =	ssyncadd.s32 $0xFFFFF530;
	(pc) =	sbr.rel @p0 .LBB2_1-.Ltmp1, $4  }
0xc9: {  	[hbm4b:s12+s2] =	stream.linear.scatter [tilespmem:s23], [sflag:$0x1], $0xAD0, $0x38;
	[tilespmem:$0xE300] =	vst v63  }
0xca: {  	_ =	swait.ge [sflag:s14], $0xAD0  }
0xcb: {  	[sflag:s14] =	ssyncset.done $0x0  }
0xcc: {  	[sflag:s14] =	ssyncadd.s32 $0xFFFFF530  }
0xcd: {  	_ =	sfence.sel $0x180000  }
0xce: {  	[bflag:$0x0] =	sbarrier.arrive $0xFFFF  }
0xcf: {  	p0 =	sne.s32 s0, $0x0;
	_ =	strace $0x90000047  }
0xd0: {  	s0 =	sadd.s32 @!p0 $0x100000, s1;
	[bflag:$0x2] =	sbarrier.arrive $0xFFFF  }
0xd1: {  	[sflag:s0] =	ssyncadd.tile.s32 @!p0 $0x1;
	_ =	shalt  }
.Lfunc_end2:
_tile_overlayer_lowered:
.L_overlay_start_2:
0xd2: {  	(tag) =	ssettag $0x2  }
0xd3: {  	s0 =	rddreg [dreg:$0x0];
	s2 =	stileid.u32  }
0xd4: {  	s1 =	rddreg [dreg:$0x1];
	p0 =	sne.s32 s2, $0x0  }
0xd5: {  	s3 =	rddreg [dreg:$0x2];
	[bflag:$0x3] =	sbarrier.arrive $0xFFFF;
	s2 =	simm.s32 @!p0 $0x1C01  }
0xd6: {  	[timem:s3], [sflag:s2] =	dma.local @!p0 [hbm:s0], s1  }
0xd7: {  	s0 =	simm.s32 @!p0 $0x1  }
0xd8: {  	_ =	swait.ge @!p0 [sflag:s0], s1  }
0xd9: {  	s1 =	ssub.s32 @!p0 $0x0, s1;
	[sflag:s0] =	ssyncset.done @!p0 $0x0  }
0xda: {  	[sflag:s0] =	ssyncadd.s32 @!p0 s1  }
0xdb: {  	[bflag:$0x3] =	sbarrier.arrive $0xFFFF  }
0xdc: {  	_ =	shalt  }

</sc_bundles>
